<compile_context>
chip_gen: v7x
topology: tpu7x:2x2x1
jax: 0.10.2.dev20260603
libtpu: 0.0.44.dev20260713+nightly
codegen_flags: <defaults>
</compile_context>

<pallas_src>
import functools

import jax
import jax.numpy as jnp
from jax import lax
from jax.experimental import pallas as pl
from jax.experimental.pallas import tpu as pltpu
from jax.experimental.pallas import tpu_sc as plsc

N = 10000
E = 320000
D = 128

NC = 2
NS = 16
NW = NC * NS
EPW = E // NW
CHUNK = 80
NCHUNK = EPW // CHUNK
IDXB = 5
NOUT = NCHUNK // IDXB
BATCH = IDXB * CHUNK
NPAD = 10112
RPT = NPAD // NS
CW = 16
NBUF = 3


def _sc_aggregate(x, eflat, zrows, zcnt, ones):
    mesh = plsc.VectorSubcoreMesh(core_axis_name="c", subcore_axis_name="s")

    @functools.partial(
        pl.kernel,
        out_type=(
            jax.ShapeDtypeStruct((NC, NPAD, D), jnp.float32),
            jax.ShapeDtypeStruct((NC, NPAD, CW), jnp.float32),
        ),
        mesh=mesh,
        scratch_types=(
            pltpu.VMEM((2, BATCH), jnp.int32),
            pltpu.VMEM((2, BATCH), jnp.int32),
            [pltpu.VMEM((CHUNK, D), jnp.float32) for _ in range(NBUF)],
            pltpu.VMEM((CHUNK, CW), jnp.float32),
            pltpu.VMEM_SHARED((NPAD, D), jnp.float32),
            pltpu.VMEM_SHARED((NPAD, CW), jnp.float32),
            [pltpu.SemaphoreType.DMA for _ in range(NBUF)],
            [pltpu.SemaphoreType.DMA for _ in range(NBUF)],
            pltpu.SemaphoreType.DMA,
            pltpu.SemaphoreType.DMA,
            pltpu.SemaphoreType.DMA,
        ),
        compiler_params=pltpu.CompilerParams(use_tc_tiling_on_sc=False),
    )
    def agg(x_hbm, e_hbm, zrows_hbm, zcnt_hbm, ones_hbm,
            psum_hbm, pcnt_hbm,
            srcb, dstb, rows, ones_v, sums_sh, cnt_sh,
            sem_g, sem_s, sem_o, sem_is, sem_id):
        c = lax.axis_index("c")
        s = lax.axis_index("s")
        wid = s * NC + c
        row0 = s * RPT
        ebase = wid * EPW
        pltpu.sync_copy(zrows_hbm, sums_sh.at[pl.ds(row0, RPT)])
        pltpu.sync_copy(zcnt_hbm, cnt_sh.at[pl.ds(row0, RPT)])
        pltpu.sync_copy(ones_hbm, ones_v)
        pltpu.sync_copy(e_hbm.at[pl.ds(ebase, BATCH)], srcb.at[0])
        pltpu.sync_copy(e_hbm.at[pl.ds(E + ebase, BATCH)], dstb.at[0])
        plsc.subcore_barrier()

        @pl.loop(0, NOUT)
        def _(o):
            ob = o % 2

            @pl.when(o > 0)
            def _():
                pltpu.make_async_copy(
                    e_hbm.at[pl.ds(0, BATCH)], srcb.at[ob], sem_is).wait()
                pltpu.make_async_copy(
                    e_hbm.at[pl.ds(0, BATCH)], dstb.at[ob], sem_id).wait()

            @pl.when(o < NOUT - 1)
            def _():
                nb = pl.multiple_of((o + 1) * BATCH, 8)
                pltpu.async_copy(
                    e_hbm.at[pl.ds(ebase + nb, BATCH)], srcb.at[1 - ob],
                    sem_is)
                pltpu.async_copy(
                    e_hbm.at[pl.ds(E + ebase + nb, BATCH)], dstb.at[1 - ob],
                    sem_id)

            def sidx(j):
                return srcb.at[ob, pl.ds(j * CHUNK, CHUNK)]

            def didx(j):
                return dstb.at[ob, pl.ds(j * CHUNK, CHUNK)]

            g = {}
            sc = {}
            ct = {}
            g[0] = pltpu.async_copy(x_hbm.at[sidx(0)], rows[0], sem_g[0])
            g[1] = pltpu.async_copy(x_hbm.at[sidx(1)], rows[1], sem_g[1])
            for j in range(IDXB):
                b = j % NBUF
                g[j].wait()
                sc[j] = pltpu.async_copy(
                    rows[b], sums_sh.at[didx(j)], sem_s[b], add=True)
                ct[j] = pltpu.async_copy(
                    ones_v, cnt_sh.at[didx(j)], sem_o, add=True)
                nxt = j + 2
                if nxt < IDXB:
                    if nxt - NBUF >= 0:
                        sc[nxt - NBUF].wait()
                    g[nxt] = pltpu.async_copy(
                        x_hbm.at[sidx(nxt)], rows[nxt % NBUF],
                        sem_g[nxt % NBUF])
            for j in range(max(0, IDXB - NBUF), IDXB):
                sc[j].wait()
            for j in range(IDXB):
                ct[j].wait()

        plsc.subcore_barrier()
        pltpu.sync_copy(sums_sh.at[pl.ds(row0, RPT)],
                        psum_hbm.at[c, pl.ds(row0, RPT)])
        pltpu.sync_copy(cnt_sh.at[pl.ds(row0, RPT)],
                        pcnt_hbm.at[c, pl.ds(row0, RPT)])

    return agg(x, eflat, zrows, zcnt, ones)


BN = 400


def _tc_body(p_ref, c_ref, x_ref, wl_ref, wr_ref, b_ref, o_ref):
    p = p_ref[0] + p_ref[1]
    cnt = c_ref[0] + c_ref[1]
    inv = 1.0 / jnp.maximum(cnt[:, 0:1], 1.0)
    agg = p * inv
    o_ref[...] = (
        jnp.dot(agg, wl_ref[...].T, preferred_element_type=jnp.float32)
        + jnp.dot(x_ref[...], wr_ref[...].T, preferred_element_type=jnp.float32)
        + b_ref[...]
    )


def _tc_combine(psum, pcnt, x, W_l, b_l, W_r):
    return pl.pallas_call(
        _tc_body,
        grid=(N // BN,),
        in_specs=[
            pl.BlockSpec((NC, BN, D), lambda i: (0, i, 0)),
            pl.BlockSpec((NC, BN, CW), lambda i: (0, i, 0)),
            pl.BlockSpec((BN, D), lambda i: (i, 0)),
            pl.BlockSpec((D, D), lambda i: (0, 0)),
            pl.BlockSpec((D, D), lambda i: (0, 0)),
            pl.BlockSpec((1, D), lambda i: (0, 0)),
        ],
        out_specs=pl.BlockSpec((BN, D), lambda i: (i, 0)),
        out_shape=jax.ShapeDtypeStruct((N, D), jnp.float32),
    )(psum, pcnt, x, W_l, W_r, b_l.reshape(1, D))


@jax.jit
def kernel(x, edge_index, W_l, b_l, W_r):
    eflat = edge_index.reshape(2 * E)
    zrows = jnp.zeros((RPT, D), jnp.float32)
    zcnt = jnp.zeros((RPT, CW), jnp.float32)
    ones = jnp.ones((CHUNK, CW), jnp.float32)
    psum, pcnt = _sc_aggregate(x, eflat, zrows, zcnt, ones)
    return _tc_combine(psum, pcnt, x, W_l, b_l, W_r)

# --- scband reference (transcript-rebuilt; emitter-appended) ---
"""Pipeline reference for scband-na-aggregator-40845138985060 (READ-ONLY COPY).

The authoritative reference and input builder live on the scoring server;
editing this copy changes nothing except your own understanding.
"""

import jax, jax.numpy as jnp
import numpy as np

N = 10000
E = 320000
D_IN = 128
D_OUT = 128

def setup_inputs(seed: int = 0) -> dict:
    key = jax.random.key(seed)
    k1, k2, k3, k4, k5 = jax.random.split(key, 5)
    x = jax.random.normal(k1, (N, D_IN), dtype=jnp.float32)
    edge_index = jax.random.randint(k2, (2, E), 0, N, dtype=jnp.int32)
    scale = 1.0 / np.sqrt(D_IN)
    W_l = jax.random.uniform(k3, (D_OUT, D_IN), jnp.float32, -scale, scale)
    b_l = jax.random.uniform(k4, (D_OUT,), jnp.float32, -scale, scale)
    W_r = jax.random.uniform(k5, (D_OUT, D_IN), jnp.float32, -scale, scale)
    return {"x": x, "edge_index": edge_index, "W_l": W_l, "b_l": b_l, "W_r": W_r}

def reference(x, edge_index, W_l, b_l, W_r):
    # PyG SAGEConv (aggr='mean', root_weight=True):
    #   out = lin_l(mean_{j in N(i)} x_j) + lin_r(x_i)
    src = edge_index[0]
    dst = edge_index[1]
    msgs = jnp.take(x, src, axis=0)                      # gather x_j  [E, D_IN]
    sums = jnp.zeros((x.shape[0], x.shape[1]), dtype=x.dtype).at[dst].add(msgs)
    cnt = jnp.zeros((x.shape[0],), dtype=x.dtype).at[dst].add(1.0)
    agg = sums / jnp.clip(cnt, 1.0)[:, None]             # mean aggregation
    out = agg @ W_l.T + b_l + x @ W_r.T
    return out

if __name__ == "__main__":
    import jax
    _d = setup_inputs()
    print(jax.jit(kernel)(*tuple(_d.values())))

</pallas_src>

<mosaic_0001>
#map = affine_map<(d0, d1) -> (0, 0)>
#map1 = affine_map<(d0, d1) -> (0)>
#map2 = affine_map<(d0, d1) -> (0, 0, 0)>
module attributes {stable_mosaic.version = 14 : i64} {
  func.func @agg(%arg0: i32, %arg1: i32, %arg2: memref<10000x128xf32, #tpu.memory_space<hbm>>, %arg3: memref<640000xi32, #tpu.memory_space<hbm>>, %arg4: memref<632x128xf32, #tpu.memory_space<hbm>>, %arg5: memref<632x16xf32, #tpu.memory_space<hbm>>, %arg6: memref<80x16xf32, #tpu.memory_space<hbm>>, %arg7: memref<2x10112x128xf32, #tpu.memory_space<hbm>>, %arg8: memref<2x10112x16xf32, #tpu.memory_space<hbm>>, %arg9: memref<2x400xi32, #tpu.memory_space<vmem>>, %arg10: memref<2x400xi32, #tpu.memory_space<vmem>>, %arg11: memref<80x128xf32, #tpu.memory_space<vmem>>, %arg12: memref<80x128xf32, #tpu.memory_space<vmem>>, %arg13: memref<80x128xf32, #tpu.memory_space<vmem>>, %arg14: memref<80x16xf32, #tpu.memory_space<vmem>>, %arg15: memref<10112x128xf32, #tpu.memory_space<vmem_shared>>, %arg16: memref<10112x16xf32, #tpu.memory_space<vmem_shared>>, %arg17: memref<!tpu.dma_semaphore, #tpu.memory_space<semaphore_mem>>, %arg18: memref<!tpu.dma_semaphore, #tpu.memory_space<semaphore_mem>>, %arg19: memref<!tpu.dma_semaphore, #tpu.memory_space<semaphore_mem>>, %arg20: memref<!tpu.dma_semaphore, #tpu.memory_space<semaphore_mem>>, %arg21: memref<!tpu.dma_semaphore, #tpu.memory_space<semaphore_mem>>, %arg22: memref<!tpu.dma_semaphore, #tpu.memory_space<semaphore_mem>>, %arg23: memref<!tpu.dma_semaphore, #tpu.memory_space<semaphore_mem>>, %arg24: memref<!tpu.dma_semaphore, #tpu.memory_space<semaphore_mem>>, %arg25: memref<!tpu.dma_semaphore, #tpu.memory_space<semaphore_mem>>) attributes {dimension_semantics = [#tpu.dimension_semantics<core_parallel>, #tpu.dimension_semantics<subcore_parallel>], iteration_bounds = array<i64: 2, 16>, scalar_prefetch = 0 : i64, scratch_operands = 17 : i64, tpu.core_type = #tpu.core_type<sc_vector_subcore>, window_params = [{transform_indices = #map}, {transform_indices = #map1}, {transform_indices = #map}, {transform_indices = #map}, {transform_indices = #map}, {transform_indices = #map2}, {transform_indices = #map2}]} {
    %mul3A = arith.constant 2 : i32
    %mul3A_0 = arith.muli %arg1, %mul3A : i32
    %add3A = arith.addi %mul3A_0, %arg0 : i32
    %mul3A_1 = arith.constant 632 : i32
    %mul3A_2 = arith.muli %arg1, %mul3A_1 : i32
    %mul3A_3 = arith.constant 10000 : i32
    %mul3A_4 = arith.muli %add3A, %mul3A_3 : i32
    "tpu.region"() ({
      %run_scoped3A_13 = tpu.sem_alloc : memref<!tpu.dma_semaphore, #tpu.memory_space<semaphore_mem>>
      %dma_start3A = arith.constant 0 : i32
      %dma_start3A_14 = tpu.memref_slice %arg15[%mul3A_2, %dma_start3A] : memref<10112x128xf32, #tpu.memory_space<vmem_shared>> -> memref<632x128xf32, #tpu.memory_space<vmem_shared>>
      tpu.enqueue_dma source(%arg4 : memref<632x128xf32, #tpu.memory_space<hbm>>) target(%dma_start3A_14 : memref<632x128xf32, #tpu.memory_space<vmem_shared>>) target_semaphore(%run_scoped3A_13 : memref<!tpu.dma_semaphore, #tpu.memory_space<semaphore_mem>>)
      %dma_wait3A = arith.constant 0 : i32
      %dma_wait3A_15 = tpu.memref_slice %arg15[%mul3A_2, %dma_wait3A] : memref<10112x128xf32, #tpu.memory_space<vmem_shared>> -> memref<632x128xf32, #tpu.memory_space<vmem_shared>>
      tpu.wait_dma2 semaphore(%run_scoped3A_13 : memref<!tpu.dma_semaphore, #tpu.memory_space<semaphore_mem>>) src(%arg4 : memref<632x128xf32, #tpu.memory_space<hbm>>) dst(%dma_wait3A_15 : memref<632x128xf32, #tpu.memory_space<vmem_shared>>)
      tpu.yield
    }) : () -> ()
    "tpu.region"() ({
      %run_scoped3A_13 = tpu.sem_alloc : memref<!tpu.dma_semaphore, #tpu.memory_space<semaphore_mem>>
      %dma_start3A = arith.constant 0 : i32
      %dma_start3A_14 = tpu.memref_slice %arg16[%mul3A_2, %dma_start3A] : memref<10112x16xf32, #tpu.memory_space<vmem_shared>> -> memref<632x16xf32, #tpu.memory_space<vmem_shared>>
      tpu.enqueue_dma source(%arg5 : memref<632x16xf32, #tpu.memory_space<hbm>>) target(%dma_start3A_14 : memref<632x16xf32, #tpu.memory_space<vmem_shared>>) target_semaphore(%run_scoped3A_13 : memref<!tpu.dma_semaphore, #tpu.memory_space<semaphore_mem>>)
      %dma_wait3A = arith.constant 0 : i32
      %dma_wait3A_15 = tpu.memref_slice %arg16[%mul3A_2, %dma_wait3A] : memref<10112x16xf32, #tpu.memory_space<vmem_shared>> -> memref<632x16xf32, #tpu.memory_space<vmem_shared>>
      tpu.wait_dma2 semaphore(%run_scoped3A_13 : memref<!tpu.dma_semaphore, #tpu.memory_space<semaphore_mem>>) src(%arg5 : memref<632x16xf32, #tpu.memory_space<hbm>>) dst(%dma_wait3A_15 : memref<632x16xf32, #tpu.memory_space<vmem_shared>>)
      tpu.yield
    }) : () -> ()
    "tpu.region"() ({
      %run_scoped3A_13 = tpu.sem_alloc : memref<!tpu.dma_semaphore, #tpu.memory_space<semaphore_mem>>
      tpu.enqueue_dma source(%arg6 : memref<80x16xf32, #tpu.memory_space<hbm>>) target(%arg14 : memref<80x16xf32, #tpu.memory_space<vmem>>) target_semaphore(%run_scoped3A_13 : memref<!tpu.dma_semaphore, #tpu.memory_space<semaphore_mem>>)
      tpu.wait_dma2 semaphore(%run_scoped3A_13 : memref<!tpu.dma_semaphore, #tpu.memory_space<semaphore_mem>>) src(%arg6 : memref<80x16xf32, #tpu.memory_space<hbm>>) dst(%arg14 : memref<80x16xf32, #tpu.memory_space<vmem>>)
      tpu.yield
    }) : () -> ()
    %run_scoped3A = arith.constant 0 : i32
    "tpu.region"() ({
      %run_scoped3A_13 = tpu.sem_alloc : memref<!tpu.dma_semaphore, #tpu.memory_space<semaphore_mem>>
      %dma_start3A = arith.constant 0 : i32
      %dma_start3A_14 = tpu.memref_slice %arg9[%run_scoped3A, %dma_start3A] : memref<2x400xi32, #tpu.memory_space<vmem>> -> memref<1x400xi32, #tpu.memory_space<vmem>>
      %dma_start3A_15 = tpu.memref_squeeze %dma_start3A_14 : memref<1x400xi32, #tpu.memory_space<vmem>> -> memref<400xi32, #tpu.memory_space<vmem>>
      %dma_start3A_16 = tpu.memref_slice %arg3[%mul3A_4] : memref<640000xi32, #tpu.memory_space<hbm>> -> memref<400xi32, #tpu.memory_space<hbm>>
      %dma_start3A_17 = arith.constant 0 : i32
      %dma_start3A_18 = tpu.memref_slice %arg9[%run_scoped3A, %dma_start3A_17] : memref<2x400xi32, #tpu.memory_space<vmem>> -> memref<1x400xi32, #tpu.memory_space<vmem>>
      %dma_start3A_19 = tpu.memref_squeeze %dma_start3A_18 : memref<1x400xi32, #tpu.memory_space<vmem>> -> memref<400xi32, #tpu.memory_space<vmem>>
      %dma_start3A_20 = tpu.memref_slice %arg3[%mul3A_4] : memref<640000xi32, #tpu.memory_space<hbm>> -> memref<400xi32, #tpu.memory_space<hbm>>
      tpu.enqueue_dma source(%dma_start3A_20 : memref<400xi32, #tpu.memory_space<hbm>>) target(%dma_start3A_19 : memref<400xi32, #tpu.memory_space<vmem>>) target_semaphore(%run_scoped3A_13 : memref<!tpu.dma_semaphore, #tpu.memory_space<semaphore_mem>>)
      %dma_wait3A = arith.constant 0 : i32
      %dma_wait3A_21 = tpu.memref_slice %arg9[%run_scoped3A, %dma_wait3A] : memref<2x400xi32, #tpu.memory_space<vmem>> -> memref<1x400xi32, #tpu.memory_space<vmem>>
      %dma_wait3A_22 = tpu.memref_squeeze %dma_wait3A_21 : memref<1x400xi32, #tpu.memory_space<vmem>> -> memref<400xi32, #tpu.memory_space<vmem>>
      %dma_wait3A_23 = tpu.memref_slice %arg3[%mul3A_4] : memref<640000xi32, #tpu.memory_space<hbm>> -> memref<400xi32, #tpu.memory_space<hbm>>
      %dma_wait3A_24 = arith.constant 0 : i32
      %dma_wait3A_25 = tpu.memref_slice %arg9[%run_scoped3A, %dma_wait3A_24] : memref<2x400xi32, #tpu.memory_space<vmem>> -> memref<1x400xi32, #tpu.memory_space<vmem>>
      %dma_wait3A_26 = tpu.memref_squeeze %dma_wait3A_25 : memref<1x400xi32, #tpu.memory_space<vmem>> -> memref<400xi32, #tpu.memory_space<vmem>>
      %dma_wait3A_27 = tpu.memref_slice %arg3[%mul3A_4] : memref<640000xi32, #tpu.memory_space<hbm>> -> memref<400xi32, #tpu.memory_space<hbm>>
      tpu.wait_dma2 semaphore(%run_scoped3A_13 : memref<!tpu.dma_semaphore, #tpu.memory_space<semaphore_mem>>) src(%dma_wait3A_27 : memref<400xi32, #tpu.memory_space<hbm>>) dst(%dma_wait3A_26 : memref<400xi32, #tpu.memory_space<vmem>>)
      tpu.yield
    }) : () -> ()
    %add3A_5 = arith.constant 320000 : i32
    %add3A_6 = arith.addi %add3A_5, %mul3A_4 : i32
    %run_scoped3A_7 = arith.constant 0 : i32
    "tpu.region"() ({
      %run_scoped3A_13 = tpu.sem_alloc : memref<!tpu.dma_semaphore, #tpu.memory_space<semaphore_mem>>
      %dma_start3A = arith.constant 0 : i32
      %dma_start3A_14 = tpu.memref_slice %arg10[%run_scoped3A_7, %dma_start3A] : memref<2x400xi32, #tpu.memory_space<vmem>> -> memref<1x400xi32, #tpu.memory_space<vmem>>
      %dma_start3A_15 = tpu.memref_squeeze %dma_start3A_14 : memref<1x400xi32, #tpu.memory_space<vmem>> -> memref<400xi32, #tpu.memory_space<vmem>>
      %dma_start3A_16 = tpu.memref_slice %arg3[%add3A_6] : memref<640000xi32, #tpu.memory_space<hbm>> -> memref<400xi32, #tpu.memory_space<hbm>>
      %dma_start3A_17 = arith.constant 0 : i32
      %dma_start3A_18 = tpu.memref_slice %arg10[%run_scoped3A_7, %dma_start3A_17] : memref<2x400xi32, #tpu.memory_space<vmem>> -> memref<1x400xi32, #tpu.memory_space<vmem>>
      %dma_start3A_19 = tpu.memref_squeeze %dma_start3A_18 : memref<1x400xi32, #tpu.memory_space<vmem>> -> memref<400xi32, #tpu.memory_space<vmem>>
      %dma_start3A_20 = tpu.memref_slice %arg3[%add3A_6] : memref<640000xi32, #tpu.memory_space<hbm>> -> memref<400xi32, #tpu.memory_space<hbm>>
      tpu.enqueue_dma source(%dma_start3A_20 : memref<400xi32, #tpu.memory_space<hbm>>) target(%dma_start3A_19 : memref<400xi32, #tpu.memory_space<vmem>>) target_semaphore(%run_scoped3A_13 : memref<!tpu.dma_semaphore, #tpu.memory_space<semaphore_mem>>)
      %dma_wait3A = arith.constant 0 : i32
      %dma_wait3A_21 = tpu.memref_slice %arg10[%run_scoped3A_7, %dma_wait3A] : memref<2x400xi32, #tpu.memory_space<vmem>> -> memref<1x400xi32, #tpu.memory_space<vmem>>
      %dma_wait3A_22 = tpu.memref_squeeze %dma_wait3A_21 : memref<1x400xi32, #tpu.memory_space<vmem>> -> memref<400xi32, #tpu.memory_space<vmem>>
      %dma_wait3A_23 = tpu.memref_slice %arg3[%add3A_6] : memref<640000xi32, #tpu.memory_space<hbm>> -> memref<400xi32, #tpu.memory_space<hbm>>
      %dma_wait3A_24 = arith.constant 0 : i32
      %dma_wait3A_25 = tpu.memref_slice %arg10[%run_scoped3A_7, %dma_wait3A_24] : memref<2x400xi32, #tpu.memory_space<vmem>> -> memref<1x400xi32, #tpu.memory_space<vmem>>
      %dma_wait3A_26 = tpu.memref_squeeze %dma_wait3A_25 : memref<1x400xi32, #tpu.memory_space<vmem>> -> memref<400xi32, #tpu.memory_space<vmem>>
      %dma_wait3A_27 = tpu.memref_slice %arg3[%add3A_6] : memref<640000xi32, #tpu.memory_space<hbm>> -> memref<400xi32, #tpu.memory_space<hbm>>
      tpu.wait_dma2 semaphore(%run_scoped3A_13 : memref<!tpu.dma_semaphore, #tpu.memory_space<semaphore_mem>>) src(%dma_wait3A_27 : memref<400xi32, #tpu.memory_space<hbm>>) dst(%dma_wait3A_26 : memref<400xi32, #tpu.memory_space<vmem>>)
      tpu.yield
    }) : () -> ()
    %barrier3A = arith.constant 0 : index
    tpu.barrier barrier_id(%barrier3A)
    %scan3A = arith.constant 0 : i32
    %scan3A_8 = arith.constant 25 : i32
    %scan3A_9 = arith.addi %scan3A, %scan3A_8 : i32
    %scan3A_10 = arith.constant 1 : i32
    scf.for %scan3A_13 = %scan3A to %scan3A_9 step %scan3A_10  : i32 {
      %mul3A_14 = arith.constant 1 : i32
      %mul3A_15 = arith.muli %scan3A_13, %mul3A_14 : i32
      %add3A_16 = arith.constant 0 : i32
      %add3A_17 = arith.addi %add3A_16, %mul3A_15 : i32
      %jit3A = arith.constant 2 : i32
      %eq3A = arith.constant 0 : i32
      %eq3A_18 = arith.cmpi eq, %jit3A, %eq3A : i32
      %jit3A_19 = arith.constant 1 : i32
      %select_n3A = arith.select %eq3A_18, %jit3A_19, %jit3A : i32
      %rem3A = arith.remsi %add3A_17, %select_n3A : i32
      %ne3A = arith.constant 0 : i32
      %ne3A_20 = arith.cmpi ne, %rem3A, %ne3A : i32
      %lt3A = arith.constant 0 : i32
      %lt3A_21 = arith.cmpi slt, %rem3A, %lt3A : i32
      %lt3A_22 = arith.constant 0 : i32
      %lt3A_23 = arith.cmpi slt, %select_n3A, %lt3A_22 : i32
      %ne3A_24 = arith.xori %lt3A_21, %lt3A_23 : i1
      %and3A = arith.andi %ne3A_24, %ne3A_20 : i1
      %add3A_25 = arith.addi %rem3A, %select_n3A : i32
      %select_n3A_26 = arith.select %and3A, %add3A_25, %rem3A : i32
      %gt3A = arith.constant 0 : i32
      %gt3A_27 = arith.cmpi sgt, %add3A_17, %gt3A : i32
      %convert_element_type3A = arith.extui %gt3A_27 : i1 to i32
      %cond3A = arith.constant 0 : i32
      %cond3A_28 = arith.cmpi ne, %convert_element_type3A, %cond3A : i32
      scf.if %cond3A_28 {
        %dma_wait3A_212 = arith.constant 0 : i32
        %dma_wait3A_213 = tpu.memref_slice %arg9[%select_n3A_26, %dma_wait3A_212] : memref<2x400xi32, #tpu.memory_space<vmem>> -> memref<1x400xi32, #tpu.memory_space<vmem>>
        %dma_wait3A_214 = tpu.memref_squeeze %dma_wait3A_213 : memref<1x400xi32, #tpu.memory_space<vmem>> -> memref<400xi32, #tpu.memory_space<vmem>>
        %dma_wait3A_215 = arith.constant 0 : i32
        %dma_wait3A_216 = tpu.memref_slice %arg3[%dma_wait3A_215] : memref<640000xi32, #tpu.memory_space<hbm>> -> memref<400xi32, #tpu.memory_space<hbm>>
        %dma_wait3A_217 = arith.constant 0 : i32
        %dma_wait3A_218 = tpu.memref_slice %arg9[%select_n3A_26, %dma_wait3A_217] : memref<2x400xi32, #tpu.memory_space<vmem>> -> memref<1x400xi32, #tpu.memory_space<vmem>>
        %dma_wait3A_219 = tpu.memref_squeeze %dma_wait3A_218 : memref<1x400xi32, #tpu.memory_space<vmem>> -> memref<400xi32, #tpu.memory_space<vmem>>
        %dma_wait3A_220 = arith.constant 0 : i32
        %dma_wait3A_221 = tpu.memref_slice %arg3[%dma_wait3A_220] : memref<640000xi32, #tpu.memory_space<hbm>> -> memref<400xi32, #tpu.memory_space<hbm>>
        tpu.wait_dma2 semaphore(%arg24 : memref<!tpu.dma_semaphore, #tpu.memory_space<semaphore_mem>>) src(%dma_wait3A_221 : memref<400xi32, #tpu.memory_space<hbm>>) dst(%dma_wait3A_219 : memref<400xi32, #tpu.memory_space<vmem>>)
        %dma_wait3A_222 = arith.constant 0 : i32
        %dma_wait3A_223 = tpu.memref_slice %arg10[%select_n3A_26, %dma_wait3A_222] : memref<2x400xi32, #tpu.memory_space<vmem>> -> memref<1x400xi32, #tpu.memory_space<vmem>>
        %dma_wait3A_224 = tpu.memref_squeeze %dma_wait3A_223 : memref<1x400xi32, #tpu.memory_space<vmem>> -> memref<400xi32, #tpu.memory_space<vmem>>
        %dma_wait3A_225 = arith.constant 0 : i32
        %dma_wait3A_226 = tpu.memref_slice %arg3[%dma_wait3A_225] : memref<640000xi32, #tpu.memory_space<hbm>> -> memref<400xi32, #tpu.memory_space<hbm>>
        %dma_wait3A_227 = arith.constant 0 : i32
        %dma_wait3A_228 = tpu.memref_slice %arg10[%select_n3A_26, %dma_wait3A_227] : memref<2x400xi32, #tpu.memory_space<vmem>> -> memref<1x400xi32, #tpu.memory_space<vmem>>
        %dma_wait3A_229 = tpu.memref_squeeze %dma_wait3A_228 : memref<1x400xi32, #tpu.memory_space<vmem>> -> memref<400xi32, #tpu.memory_space<vmem>>
        %dma_wait3A_230 = arith.constant 0 : i32
        %dma_wait3A_231 = tpu.memref_slice %arg3[%dma_wait3A_230] : memref<640000xi32, #tpu.memory_space<hbm>> -> memref<400xi32, #tpu.memory_space<hbm>>
        tpu.wait_dma2 semaphore(%arg25 : memref<!tpu.dma_semaphore, #tpu.memory_space<semaphore_mem>>) src(%dma_wait3A_231 : memref<400xi32, #tpu.memory_space<hbm>>) dst(%dma_wait3A_229 : memref<400xi32, #tpu.memory_space<vmem>>)
      } else {
      }
      %lt3A_29 = arith.constant 24 : i32
      %lt3A_30 = arith.cmpi slt, %add3A_17, %lt3A_29 : i32
      %convert_element_type3A_31 = arith.extui %lt3A_30 : i1 to i32
      %cond3A_32 = arith.constant 0 : i32
      %cond3A_33 = arith.cmpi ne, %convert_element_type3A_31, %cond3A_32 : i32
      scf.if %cond3A_33 {
        %add3A_212 = arith.constant 1 : i32
        %add3A_213 = arith.addi %add3A_17, %add3A_212 : i32
        %mul3A_214 = arith.constant 400 : i32
        %mul3A_215 = arith.muli %add3A_213, %mul3A_214 : i32
        %multiple_of3A = tpu.assume_multiple %mul3A_215, 8 : i32
        %add3A_216 = arith.addi %mul3A_4, %multiple_of3A : i32
        %sub3A = arith.constant 1 : i32
        %sub3A_217 = arith.subi %sub3A, %select_n3A_26 : i32
        %dma_start3A_218 = arith.constant 0 : i32
        %dma_start3A_219 = tpu.memref_slice %arg9[%sub3A_217, %dma_start3A_218] : memref<2x400xi32, #tpu.memory_space<vmem>> -> memref<1x400xi32, #tpu.memory_space<vmem>>
        %dma_start3A_220 = tpu.memref_squeeze %dma_start3A_219 : memref<1x400xi32, #tpu.memory_space<vmem>> -> memref<400xi32, #tpu.memory_space<vmem>>
        %dma_start3A_221 = tpu.memref_slice %arg3[%add3A_216] : memref<640000xi32, #tpu.memory_space<hbm>> -> memref<400xi32, #tpu.memory_space<hbm>>
        %dma_start3A_222 = arith.constant 0 : i32
        %dma_start3A_223 = tpu.memref_slice %arg9[%sub3A_217, %dma_start3A_222] : memref<2x400xi32, #tpu.memory_space<vmem>> -> memref<1x400xi32, #tpu.memory_space<vmem>>
        %dma_start3A_224 = tpu.memref_squeeze %dma_start3A_223 : memref<1x400xi32, #tpu.memory_space<vmem>> -> memref<400xi32, #tpu.memory_space<vmem>>
        %dma_start3A_225 = tpu.memref_slice %arg3[%add3A_216] : memref<640000xi32, #tpu.memory_space<hbm>> -> memref<400xi32, #tpu.memory_space<hbm>>
        tpu.enqueue_dma source(%dma_start3A_225 : memref<400xi32, #tpu.memory_space<hbm>>) target(%dma_start3A_224 : memref<400xi32, #tpu.memory_space<vmem>>) target_semaphore(%arg24 : memref<!tpu.dma_semaphore, #tpu.memory_space<semaphore_mem>>)
        %add3A_226 = arith.constant 320000 : i32
        %add3A_227 = arith.addi %add3A_226, %mul3A_4 : i32
        %add3A_228 = arith.addi %add3A_227, %multiple_of3A : i32
        %sub3A_229 = arith.constant 1 : i32
        %sub3A_230 = arith.subi %sub3A_229, %select_n3A_26 : i32
        %dma_start3A_231 = arith.constant 0 : i32
        %dma_start3A_232 = tpu.memref_slice %arg10[%sub3A_230, %dma_start3A_231] : memref<2x400xi32, #tpu.memory_space<vmem>> -> memref<1x400xi32, #tpu.memory_space<vmem>>
        %dma_start3A_233 = tpu.memref_squeeze %dma_start3A_232 : memref<1x400xi32, #tpu.memory_space<vmem>> -> memref<400xi32, #tpu.memory_space<vmem>>
        %dma_start3A_234 = tpu.memref_slice %arg3[%add3A_228] : memref<640000xi32, #tpu.memory_space<hbm>> -> memref<400xi32, #tpu.memory_space<hbm>>
        %dma_start3A_235 = arith.constant 0 : i32
        %dma_start3A_236 = tpu.memref_slice %arg10[%sub3A_230, %dma_start3A_235] : memref<2x400xi32, #tpu.memory_space<vmem>> -> memref<1x400xi32, #tpu.memory_space<vmem>>
        %dma_start3A_237 = tpu.memref_squeeze %dma_start3A_236 : memref<1x400xi32, #tpu.memory_space<vmem>> -> memref<400xi32, #tpu.memory_space<vmem>>
        %dma_start3A_238 = tpu.memref_slice %arg3[%add3A_228] : memref<640000xi32, #tpu.memory_space<hbm>> -> memref<400xi32, #tpu.memory_space<hbm>>
        tpu.enqueue_dma source(%dma_start3A_238 : memref<400xi32, #tpu.memory_space<hbm>>) target(%dma_start3A_237 : memref<400xi32, #tpu.memory_space<vmem>>) target_semaphore(%arg25 : memref<!tpu.dma_semaphore, #tpu.memory_space<semaphore_mem>>)
      } else {
      }
      %dma_start3A = arith.constant 0 : i32
      %dma_start3A_34 = tpu.memref_slice %arg9[%select_n3A_26, %dma_start3A] : memref<2x400xi32, #tpu.memory_space<vmem>> -> memref<1x80xi32, #tpu.memory_space<vmem>>
      %dma_start3A_35 = tpu.memref_squeeze %dma_start3A_34 : memref<1x80xi32, #tpu.memory_space<vmem>> -> memref<80xi32, #tpu.memory_space<vmem>>
      %dma_start3A_36 = arith.constant 0 : i32
      %dma_start3A_37 = arith.constant 0 : i32
      %dma_start3A_38 = tpu.memref_slice %arg2[%dma_start3A_36, %dma_start3A_37] : memref<10000x128xf32, #tpu.memory_space<hbm>> -> memref<10000x128xf32, #tpu.memory_space<hbm>>
      tpu.enqueue_indirect_dma source(%dma_start3A_38 : memref<10000x128xf32, #tpu.memory_space<hbm>>) target(%arg11 : memref<80x128xf32, #tpu.memory_space<vmem>>) offsets(%dma_start3A_35 : memref<80xi32, #tpu.memory_space<vmem>>) semaphore(%arg17 : memref<!tpu.dma_semaphore, #tpu.memory_space<semaphore_mem>>)
      %dma_start3A_39 = arith.constant 80 : i32
      %dma_start3A_40 = tpu.memref_slice %arg9[%select_n3A_26, %dma_start3A_39] : memref<2x400xi32, #tpu.memory_space<vmem>> -> memref<1x80xi32, #tpu.memory_space<vmem>>
      %dma_start3A_41 = tpu.memref_squeeze %dma_start3A_40 : memref<1x80xi32, #tpu.memory_space<vmem>> -> memref<80xi32, #tpu.memory_space<vmem>>
      %dma_start3A_42 = arith.constant 0 : i32
      %dma_start3A_43 = arith.constant 0 : i32
      %dma_start3A_44 = tpu.memref_slice %arg2[%dma_start3A_42, %dma_start3A_43] : memref<10000x128xf32, #tpu.memory_space<hbm>> -> memref<10000x128xf32, #tpu.memory_space<hbm>>
      tpu.enqueue_indirect_dma source(%dma_start3A_44 : memref<10000x128xf32, #tpu.memory_space<hbm>>) target(%arg12 : memref<80x128xf32, #tpu.memory_space<vmem>>) offsets(%dma_start3A_41 : memref<80xi32, #tpu.memory_space<vmem>>) semaphore(%arg18 : memref<!tpu.dma_semaphore, #tpu.memory_space<semaphore_mem>>)
      %dma_wait3A = arith.constant 0 : i32
      %dma_wait3A_45 = tpu.memref_slice %arg9[%select_n3A_26, %dma_wait3A] : memref<2x400xi32, #tpu.memory_space<vmem>> -> memref<1x80xi32, #tpu.memory_space<vmem>>
      %dma_wait3A_46 = tpu.memref_squeeze %dma_wait3A_45 : memref<1x80xi32, #tpu.memory_space<vmem>> -> memref<80xi32, #tpu.memory_space<vmem>>
      %dma_wait3A_47 = arith.constant 0 : i32
      %dma_wait3A_48 = arith.constant 0 : i32
      %dma_wait3A_49 = tpu.memref_slice %arg2[%dma_wait3A_47, %dma_wait3A_48] : memref<10000x128xf32, #tpu.memory_space<hbm>> -> memref<10000x128xf32, #tpu.memory_space<hbm>>
      tpu.wait_indirect_dma semaphore(%arg17 : memref<!tpu.dma_semaphore, #tpu.memory_space<semaphore_mem>>) src(%dma_wait3A_49 : memref<10000x128xf32, #tpu.memory_space<hbm>>) dst(%arg11 : memref<80x128xf32, #tpu.memory_space<vmem>>)
      %dma_start3A_50 = arith.constant 0 : i32
      %dma_start3A_51 = tpu.memref_slice %arg10[%select_n3A_26, %dma_start3A_50] : memref<2x400xi32, #tpu.memory_space<vmem>> -> memref<1x80xi32, #tpu.memory_space<vmem>>
      %dma_start3A_52 = tpu.memref_squeeze %dma_start3A_51 : memref<1x80xi32, #tpu.memory_space<vmem>> -> memref<80xi32, #tpu.memory_space<vmem>>
      %dma_start3A_53 = arith.constant 0 : i32
      %dma_start3A_54 = arith.constant 0 : i32
      %dma_start3A_55 = tpu.memref_slice %arg15[%dma_start3A_53, %dma_start3A_54] : memref<10112x128xf32, #tpu.memory_space<vmem_shared>> -> memref<10112x128xf32, #tpu.memory_space<vmem_shared>>
      tpu.enqueue_indirect_dma source(%arg11 : memref<80x128xf32, #tpu.memory_space<vmem>>) target(%dma_start3A_55 : memref<10112x128xf32, #tpu.memory_space<vmem_shared>>) offsets(%dma_start3A_52 : memref<80xi32, #tpu.memory_space<vmem>>) semaphore(%arg20 : memref<!tpu.dma_semaphore, #tpu.memory_space<semaphore_mem>>) {add = true}
      %dma_start3A_56 = arith.constant 0 : i32
      %dma_start3A_57 = tpu.memref_slice %arg10[%select_n3A_26, %dma_start3A_56] : memref<2x400xi32, #tpu.memory_space<vmem>> -> memref<1x80xi32, #tpu.memory_space<vmem>>
      %dma_start3A_58 = tpu.memref_squeeze %dma_start3A_57 : memref<1x80xi32, #tpu.memory_space<vmem>> -> memref<80xi32, #tpu.memory_space<vmem>>
      %dma_start3A_59 = arith.constant 0 : i32
      %dma_start3A_60 = arith.constant 0 : i32
      %dma_start3A_61 = tpu.memref_slice %arg16[%dma_start3A_59, %dma_start3A_60] : memref<10112x16xf32, #tpu.memory_space<vmem_shared>> -> memref<10112x16xf32, #tpu.memory_space<vmem_shared>>
      tpu.enqueue_indirect_dma source(%arg14 : memref<80x16xf32, #tpu.memory_space<vmem>>) target(%dma_start3A_61 : memref<10112x16xf32, #tpu.memory_space<vmem_shared>>) offsets(%dma_start3A_58 : memref<80xi32, #tpu.memory_space<vmem>>) semaphore(%arg23 : memref<!tpu.dma_semaphore, #tpu.memory_space<semaphore_mem>>) {add = true}
      %dma_start3A_62 = arith.constant 160 : i32
      %dma_start3A_63 = tpu.memref_slice %arg9[%select_n3A_26, %dma_start3A_62] : memref<2x400xi32, #tpu.memory_space<vmem>> -> memref<1x80xi32, #tpu.memory_space<vmem>>
      %dma_start3A_64 = tpu.memref_squeeze %dma_start3A_63 : memref<1x80xi32, #tpu.memory_space<vmem>> -> memref<80xi32, #tpu.memory_space<vmem>>
      %dma_start3A_65 = arith.constant 0 : i32
      %dma_start3A_66 = arith.constant 0 : i32
      %dma_start3A_67 = tpu.memref_slice %arg2[%dma_start3A_65, %dma_start3A_66] : memref<10000x128xf32, #tpu.memory_space<hbm>> -> memref<10000x128xf32, #tpu.memory_space<hbm>>
      tpu.enqueue_indirect_dma source(%dma_start3A_67 : memref<10000x128xf32, #tpu.memory_space<hbm>>) target(%arg13 : memref<80x128xf32, #tpu.memory_space<vmem>>) offsets(%dma_start3A_64 : memref<80xi32, #tpu.memory_space<vmem>>) semaphore(%arg19 : memref<!tpu.dma_semaphore, #tpu.memory_space<semaphore_mem>>)
      %dma_wait3A_68 = arith.constant 80 : i32
      %dma_wait3A_69 = tpu.memref_slice %arg9[%select_n3A_26, %dma_wait3A_68] : memref<2x400xi32, #tpu.memory_space<vmem>> -> memref<1x80xi32, #tpu.memory_space<vmem>>
      %dma_wait3A_70 = tpu.memref_squeeze %dma_wait3A_69 : memref<1x80xi32, #tpu.memory_space<vmem>> -> memref<80xi32, #tpu.memory_space<vmem>>
      %dma_wait3A_71 = arith.constant 0 : i32
      %dma_wait3A_72 = arith.constant 0 : i32
      %dma_wait3A_73 = tpu.memref_slice %arg2[%dma_wait3A_71, %dma_wait3A_72] : memref<10000x128xf32, #tpu.memory_space<hbm>> -> memref<10000x128xf32, #tpu.memory_space<hbm>>
      tpu.wait_indirect_dma semaphore(%arg18 : memref<!tpu.dma_semaphore, #tpu.memory_space<semaphore_mem>>) src(%dma_wait3A_73 : memref<10000x128xf32, #tpu.memory_space<hbm>>) dst(%arg12 : memref<80x128xf32, #tpu.memory_space<vmem>>)
      %dma_start3A_74 = arith.constant 80 : i32
      %dma_start3A_75 = tpu.memref_slice %arg10[%select_n3A_26, %dma_start3A_74] : memref<2x400xi32, #tpu.memory_space<vmem>> -> memref<1x80xi32, #tpu.memory_space<vmem>>
      %dma_start3A_76 = tpu.memref_squeeze %dma_start3A_75 : memref<1x80xi32, #tpu.memory_space<vmem>> -> memref<80xi32, #tpu.memory_space<vmem>>
      %dma_start3A_77 = arith.constant 0 : i32
      %dma_start3A_78 = arith.constant 0 : i32
      %dma_start3A_79 = tpu.memref_slice %arg15[%dma_start3A_77, %dma_start3A_78] : memref<10112x128xf32, #tpu.memory_space<vmem_shared>> -> memref<10112x128xf32, #tpu.memory_space<vmem_shared>>
      tpu.enqueue_indirect_dma source(%arg12 : memref<80x128xf32, #tpu.memory_space<vmem>>) target(%dma_start3A_79 : memref<10112x128xf32, #tpu.memory_space<vmem_shared>>) offsets(%dma_start3A_76 : memref<80xi32, #tpu.memory_space<vmem>>) semaphore(%arg21 : memref<!tpu.dma_semaphore, #tpu.memory_space<semaphore_mem>>) {add = true}
      %dma_start3A_80 = arith.constant 80 : i32
      %dma_start3A_81 = tpu.memref_slice %arg10[%select_n3A_26, %dma_start3A_80] : memref<2x400xi32, #tpu.memory_space<vmem>> -> memref<1x80xi32, #tpu.memory_space<vmem>>
      %dma_start3A_82 = tpu.memref_squeeze %dma_start3A_81 : memref<1x80xi32, #tpu.memory_space<vmem>> -> memref<80xi32, #tpu.memory_space<vmem>>
      %dma_start3A_83 = arith.constant 0 : i32
      %dma_start3A_84 = arith.constant 0 : i32
      %dma_start3A_85 = tpu.memref_slice %arg16[%dma_start3A_83, %dma_start3A_84] : memref<10112x16xf32, #tpu.memory_space<vmem_shared>> -> memref<10112x16xf32, #tpu.memory_space<vmem_shared>>
      tpu.enqueue_indirect_dma source(%arg14 : memref<80x16xf32, #tpu.memory_space<vmem>>) target(%dma_start3A_85 : memref<10112x16xf32, #tpu.memory_space<vmem_shared>>) offsets(%dma_start3A_82 : memref<80xi32, #tpu.memory_space<vmem>>) semaphore(%arg23 : memref<!tpu.dma_semaphore, #tpu.memory_space<semaphore_mem>>) {add = true}
      %dma_wait3A_86 = arith.constant 0 : i32
      %dma_wait3A_87 = tpu.memref_slice %arg10[%select_n3A_26, %dma_wait3A_86] : memref<2x400xi32, #tpu.memory_space<vmem>> -> memref<1x80xi32, #tpu.memory_space<vmem>>
      %dma_wait3A_88 = tpu.memref_squeeze %dma_wait3A_87 : memref<1x80xi32, #tpu.memory_space<vmem>> -> memref<80xi32, #tpu.memory_space<vmem>>
      %dma_wait3A_89 = arith.constant 0 : i32
      %dma_wait3A_90 = arith.constant 0 : i32
      %dma_wait3A_91 = tpu.memref_slice %arg15[%dma_wait3A_89, %dma_wait3A_90] : memref<10112x128xf32, #tpu.memory_space<vmem_shared>> -> memref<10112x128xf32, #tpu.memory_space<vmem_shared>>
      tpu.wait_indirect_dma semaphore(%arg20 : memref<!tpu.dma_semaphore, #tpu.memory_space<semaphore_mem>>) src(%arg11 : memref<80x128xf32, #tpu.memory_space<vmem>>) dst(%dma_wait3A_91 : memref<10112x128xf32, #tpu.memory_space<vmem_shared>>)
      %dma_start3A_92 = arith.constant 240 : i32
      %dma_start3A_93 = tpu.memref_slice %arg9[%select_n3A_26, %dma_start3A_92] : memref<2x400xi32, #tpu.memory_space<vmem>> -> memref<1x80xi32, #tpu.memory_space<vmem>>
      %dma_start3A_94 = tpu.memref_squeeze %dma_start3A_93 : memref<1x80xi32, #tpu.memory_space<vmem>> -> memref<80xi32, #tpu.memory_space<vmem>>
      %dma_start3A_95 = arith.constant 0 : i32
      %dma_start3A_96 = arith.constant 0 : i32
      %dma_start3A_97 = tpu.memref_slice %arg2[%dma_start3A_95, %dma_start3A_96] : memref<10000x128xf32, #tpu.memory_space<hbm>> -> memref<10000x128xf32, #tpu.memory_space<hbm>>
      tpu.enqueue_indirect_dma source(%dma_start3A_97 : memref<10000x128xf32, #tpu.memory_space<hbm>>) target(%arg11 : memref<80x128xf32, #tpu.memory_space<vmem>>) offsets(%dma_start3A_94 : memref<80xi32, #tpu.memory_space<vmem>>) semaphore(%arg17 : memref<!tpu.dma_semaphore, #tpu.memory_space<semaphore_mem>>)
      %dma_wait3A_98 = arith.constant 160 : i32
      %dma_wait3A_99 = tpu.memref_slice %arg9[%select_n3A_26, %dma_wait3A_98] : memref<2x400xi32, #tpu.memory_space<vmem>> -> memref<1x80xi32, #tpu.memory_space<vmem>>
      %dma_wait3A_100 = tpu.memref_squeeze %dma_wait3A_99 : memref<1x80xi32, #tpu.memory_space<vmem>> -> memref<80xi32, #tpu.memory_space<vmem>>
      %dma_wait3A_101 = arith.constant 0 : i32
      %dma_wait3A_102 = arith.constant 0 : i32
      %dma_wait3A_103 = tpu.memref_slice %arg2[%dma_wait3A_101, %dma_wait3A_102] : memref<10000x128xf32, #tpu.memory_space<hbm>> -> memref<10000x128xf32, #tpu.memory_space<hbm>>
      tpu.wait_indirect_dma semaphore(%arg19 : memref<!tpu.dma_semaphore, #tpu.memory_space<semaphore_mem>>) src(%dma_wait3A_103 : memref<10000x128xf32, #tpu.memory_space<hbm>>) dst(%arg13 : memref<80x128xf32, #tpu.memory_space<vmem>>)
      %dma_start3A_104 = arith.constant 160 : i32
      %dma_start3A_105 = tpu.memref_slice %arg10[%select_n3A_26, %dma_start3A_104] : memref<2x400xi32, #tpu.memory_space<vmem>> -> memref<1x80xi32, #tpu.memory_space<vmem>>
      %dma_start3A_106 = tpu.memref_squeeze %dma_start3A_105 : memref<1x80xi32, #tpu.memory_space<vmem>> -> memref<80xi32, #tpu.memory_space<vmem>>
      %dma_start3A_107 = arith.constant 0 : i32
      %dma_start3A_108 = arith.constant 0 : i32
      %dma_start3A_109 = tpu.memref_slice %arg15[%dma_start3A_107, %dma_start3A_108] : memref<10112x128xf32, #tpu.memory_space<vmem_shared>> -> memref<10112x128xf32, #tpu.memory_space<vmem_shared>>
      tpu.enqueue_indirect_dma source(%arg13 : memref<80x128xf32, #tpu.memory_space<vmem>>) target(%dma_start3A_109 : memref<10112x128xf32, #tpu.memory_space<vmem_shared>>) offsets(%dma_start3A_106 : memref<80xi32, #tpu.memory_space<vmem>>) semaphore(%arg22 : memref<!tpu.dma_semaphore, #tpu.memory_space<semaphore_mem>>) {add = true}
      %dma_start3A_110 = arith.constant 160 : i32
      %dma_start3A_111 = tpu.memref_slice %arg10[%select_n3A_26, %dma_start3A_110] : memref<2x400xi32, #tpu.memory_space<vmem>> -> memref<1x80xi32, #tpu.memory_space<vmem>>
      %dma_start3A_112 = tpu.memref_squeeze %dma_start3A_111 : memref<1x80xi32, #tpu.memory_space<vmem>> -> memref<80xi32, #tpu.memory_space<vmem>>
      %dma_start3A_113 = arith.constant 0 : i32
      %dma_start3A_114 = arith.constant 0 : i32
      %dma_start3A_115 = tpu.memref_slice %arg16[%dma_start3A_113, %dma_start3A_114] : memref<10112x16xf32, #tpu.memory_space<vmem_shared>> -> memref<10112x16xf32, #tpu.memory_space<vmem_shared>>
      tpu.enqueue_indirect_dma source(%arg14 : memref<80x16xf32, #tpu.memory_space<vmem>>) target(%dma_start3A_115 : memref<10112x16xf32, #tpu.memory_space<vmem_shared>>) offsets(%dma_start3A_112 : memref<80xi32, #tpu.memory_space<vmem>>) semaphore(%arg23 : memref<!tpu.dma_semaphore, #tpu.memory_space<semaphore_mem>>) {add = true}
      %dma_wait3A_116 = arith.constant 80 : i32
      %dma_wait3A_117 = tpu.memref_slice %arg10[%select_n3A_26, %dma_wait3A_116] : memref<2x400xi32, #tpu.memory_space<vmem>> -> memref<1x80xi32, #tpu.memory_space<vmem>>
      %dma_wait3A_118 = tpu.memref_squeeze %dma_wait3A_117 : memref<1x80xi32, #tpu.memory_space<vmem>> -> memref<80xi32, #tpu.memory_space<vmem>>
      %dma_wait3A_119 = arith.constant 0 : i32
      %dma_wait3A_120 = arith.constant 0 : i32
      %dma_wait3A_121 = tpu.memref_slice %arg15[%dma_wait3A_119, %dma_wait3A_120] : memref<10112x128xf32, #tpu.memory_space<vmem_shared>> -> memref<10112x128xf32, #tpu.memory_space<vmem_shared>>
      tpu.wait_indirect_dma semaphore(%arg21 : memref<!tpu.dma_semaphore, #tpu.memory_space<semaphore_mem>>) src(%arg12 : memref<80x128xf32, #tpu.memory_space<vmem>>) dst(%dma_wait3A_121 : memref<10112x128xf32, #tpu.memory_space<vmem_shared>>)
      %dma_start3A_122 = arith.constant 320 : i32
      %dma_start3A_123 = tpu.memref_slice %arg9[%select_n3A_26, %dma_start3A_122] : memref<2x400xi32, #tpu.memory_space<vmem>> -> memref<1x80xi32, #tpu.memory_space<vmem>>
      %dma_start3A_124 = tpu.memref_squeeze %dma_start3A_123 : memref<1x80xi32, #tpu.memory_space<vmem>> -> memref<80xi32, #tpu.memory_space<vmem>>
      %dma_start3A_125 = arith.constant 0 : i32
      %dma_start3A_126 = arith.constant 0 : i32
      %dma_start3A_127 = tpu.memref_slice %arg2[%dma_start3A_125, %dma_start3A_126] : memref<10000x128xf32, #tpu.memory_space<hbm>> -> memref<10000x128xf32, #tpu.memory_space<hbm>>
      tpu.enqueue_indirect_dma source(%dma_start3A_127 : memref<10000x128xf32, #tpu.memory_space<hbm>>) target(%arg12 : memref<80x128xf32, #tpu.memory_space<vmem>>) offsets(%dma_start3A_124 : memref<80xi32, #tpu.memory_space<vmem>>) semaphore(%arg18 : memref<!tpu.dma_semaphore, #tpu.memory_space<semaphore_mem>>)
      %dma_wait3A_128 = arith.constant 240 : i32
      %dma_wait3A_129 = tpu.memref_slice %arg9[%select_n3A_26, %dma_wait3A_128] : memref<2x400xi32, #tpu.memory_space<vmem>> -> memref<1x80xi32, #tpu.memory_space<vmem>>
      %dma_wait3A_130 = tpu.memref_squeeze %dma_wait3A_129 : memref<1x80xi32, #tpu.memory_space<vmem>> -> memref<80xi32, #tpu.memory_space<vmem>>
      %dma_wait3A_131 = arith.constant 0 : i32
      %dma_wait3A_132 = arith.constant 0 : i32
      %dma_wait3A_133 = tpu.memref_slice %arg2[%dma_wait3A_131, %dma_wait3A_132] : memref<10000x128xf32, #tpu.memory_space<hbm>> -> memref<10000x128xf32, #tpu.memory_space<hbm>>
      tpu.wait_indirect_dma semaphore(%arg17 : memref<!tpu.dma_semaphore, #tpu.memory_space<semaphore_mem>>) src(%dma_wait3A_133 : memref<10000x128xf32, #tpu.memory_space<hbm>>) dst(%arg11 : memref<80x128xf32, #tpu.memory_space<vmem>>)
      %dma_start3A_134 = arith.constant 240 : i32
      %dma_start3A_135 = tpu.memref_slice %arg10[%select_n3A_26, %dma_start3A_134] : memref<2x400xi32, #tpu.memory_space<vmem>> -> memref<1x80xi32, #tpu.memory_space<vmem>>
      %dma_start3A_136 = tpu.memref_squeeze %dma_start3A_135 : memref<1x80xi32, #tpu.memory_space<vmem>> -> memref<80xi32, #tpu.memory_space<vmem>>
      %dma_start3A_137 = arith.constant 0 : i32
      %dma_start3A_138 = arith.constant 0 : i32
      %dma_start3A_139 = tpu.memref_slice %arg15[%dma_start3A_137, %dma_start3A_138] : memref<10112x128xf32, #tpu.memory_space<vmem_shared>> -> memref<10112x128xf32, #tpu.memory_space<vmem_shared>>
      tpu.enqueue_indirect_dma source(%arg11 : memref<80x128xf32, #tpu.memory_space<vmem>>) target(%dma_start3A_139 : memref<10112x128xf32, #tpu.memory_space<vmem_shared>>) offsets(%dma_start3A_136 : memref<80xi32, #tpu.memory_space<vmem>>) semaphore(%arg20 : memref<!tpu.dma_semaphore, #tpu.memory_space<semaphore_mem>>) {add = true}
      %dma_start3A_140 = arith.constant 240 : i32
      %dma_start3A_141 = tpu.memref_slice %arg10[%select_n3A_26, %dma_start3A_140] : memref<2x400xi32, #tpu.memory_space<vmem>> -> memref<1x80xi32, #tpu.memory_space<vmem>>
      %dma_start3A_142 = tpu.memref_squeeze %dma_start3A_141 : memref<1x80xi32, #tpu.memory_space<vmem>> -> memref<80xi32, #tpu.memory_space<vmem>>
      %dma_start3A_143 = arith.constant 0 : i32
      %dma_start3A_144 = arith.constant 0 : i32
      %dma_start3A_145 = tpu.memref_slice %arg16[%dma_start3A_143, %dma_start3A_144] : memref<10112x16xf32, #tpu.memory_space<vmem_shared>> -> memref<10112x16xf32, #tpu.memory_space<vmem_shared>>
      tpu.enqueue_indirect_dma source(%arg14 : memref<80x16xf32, #tpu.memory_space<vmem>>) target(%dma_start3A_145 : memref<10112x16xf32, #tpu.memory_space<vmem_shared>>) offsets(%dma_start3A_142 : memref<80xi32, #tpu.memory_space<vmem>>) semaphore(%arg23 : memref<!tpu.dma_semaphore, #tpu.memory_space<semaphore_mem>>) {add = true}
      %dma_wait3A_146 = arith.constant 320 : i32
      %dma_wait3A_147 = tpu.memref_slice %arg9[%select_n3A_26, %dma_wait3A_146] : memref<2x400xi32, #tpu.memory_space<vmem>> -> memref<1x80xi32, #tpu.memory_space<vmem>>
      %dma_wait3A_148 = tpu.memref_squeeze %dma_wait3A_147 : memref<1x80xi32, #tpu.memory_space<vmem>> -> memref<80xi32, #tpu.memory_space<vmem>>
      %dma_wait3A_149 = arith.constant 0 : i32
      %dma_wait3A_150 = arith.constant 0 : i32
      %dma_wait3A_151 = tpu.memref_slice %arg2[%dma_wait3A_149, %dma_wait3A_150] : memref<10000x128xf32, #tpu.memory_space<hbm>> -> memref<10000x128xf32, #tpu.memory_space<hbm>>
      tpu.wait_indirect_dma semaphore(%arg18 : memref<!tpu.dma_semaphore, #tpu.memory_space<semaphore_mem>>) src(%dma_wait3A_151 : memref<10000x128xf32, #tpu.memory_space<hbm>>) dst(%arg12 : memref<80x128xf32, #tpu.memory_space<vmem>>)
      %dma_start3A_152 = arith.constant 320 : i32
      %dma_start3A_153 = tpu.memref_slice %arg10[%select_n3A_26, %dma_start3A_152] : memref<2x400xi32, #tpu.memory_space<vmem>> -> memref<1x80xi32, #tpu.memory_space<vmem>>
      %dma_start3A_154 = tpu.memref_squeeze %dma_start3A_153 : memref<1x80xi32, #tpu.memory_space<vmem>> -> memref<80xi32, #tpu.memory_space<vmem>>
      %dma_start3A_155 = arith.constant 0 : i32
      %dma_start3A_156 = arith.constant 0 : i32
      %dma_start3A_157 = tpu.memref_slice %arg15[%dma_start3A_155, %dma_start3A_156] : memref<10112x128xf32, #tpu.memory_space<vmem_shared>> -> memref<10112x128xf32, #tpu.memory_space<vmem_shared>>
      tpu.enqueue_indirect_dma source(%arg12 : memref<80x128xf32, #tpu.memory_space<vmem>>) target(%dma_start3A_157 : memref<10112x128xf32, #tpu.memory_space<vmem_shared>>) offsets(%dma_start3A_154 : memref<80xi32, #tpu.memory_space<vmem>>) semaphore(%arg21 : memref<!tpu.dma_semaphore, #tpu.memory_space<semaphore_mem>>) {add = true}
      %dma_start3A_158 = arith.constant 320 : i32
      %dma_start3A_159 = tpu.memref_slice %arg10[%select_n3A_26, %dma_start3A_158] : memref<2x400xi32, #tpu.memory_space<vmem>> -> memref<1x80xi32, #tpu.memory_space<vmem>>
      %dma_start3A_160 = tpu.memref_squeeze %dma_start3A_159 : memref<1x80xi32, #tpu.memory_space<vmem>> -> memref<80xi32, #tpu.memory_space<vmem>>
      %dma_start3A_161 = arith.constant 0 : i32
      %dma_start3A_162 = arith.constant 0 : i32
      %dma_start3A_163 = tpu.memref_slice %arg16[%dma_start3A_161, %dma_start3A_162] : memref<10112x16xf32, #tpu.memory_space<vmem_shared>> -> memref<10112x16xf32, #tpu.memory_space<vmem_shared>>
      tpu.enqueue_indirect_dma source(%arg14 : memref<80x16xf32, #tpu.memory_space<vmem>>) target(%dma_start3A_163 : memref<10112x16xf32, #tpu.memory_space<vmem_shared>>) offsets(%dma_start3A_160 : memref<80xi32, #tpu.memory_space<vmem>>) semaphore(%arg23 : memref<!tpu.dma_semaphore, #tpu.memory_space<semaphore_mem>>) {add = true}
      %dma_wait3A_164 = arith.constant 160 : i32
      %dma_wait3A_165 = tpu.memref_slice %arg10[%select_n3A_26, %dma_wait3A_164] : memref<2x400xi32, #tpu.memory_space<vmem>> -> memref<1x80xi32, #tpu.memory_space<vmem>>
      %dma_wait3A_166 = tpu.memref_squeeze %dma_wait3A_165 : memref<1x80xi32, #tpu.memory_space<vmem>> -> memref<80xi32, #tpu.memory_space<vmem>>
      %dma_wait3A_167 = arith.constant 0 : i32
      %dma_wait3A_168 = arith.constant 0 : i32
      %dma_wait3A_169 = tpu.memref_slice %arg15[%dma_wait3A_167, %dma_wait3A_168] : memref<10112x128xf32, #tpu.memory_space<vmem_shared>> -> memref<10112x128xf32, #tpu.memory_space<vmem_shared>>
      tpu.wait_indirect_dma semaphore(%arg22 : memref<!tpu.dma_semaphore, #tpu.memory_space<semaphore_mem>>) src(%arg13 : memref<80x128xf32, #tpu.memory_space<vmem>>) dst(%dma_wait3A_169 : memref<10112x128xf32, #tpu.memory_space<vmem_shared>>)
      %dma_wait3A_170 = arith.constant 240 : i32
      %dma_wait3A_171 = tpu.memref_slice %arg10[%select_n3A_26, %dma_wait3A_170] : memref<2x400xi32, #tpu.memory_space<vmem>> -> memref<1x80xi32, #tpu.memory_space<vmem>>
      %dma_wait3A_172 = tpu.memref_squeeze %dma_wait3A_171 : memref<1x80xi32, #tpu.memory_space<vmem>> -> memref<80xi32, #tpu.memory_space<vmem>>
      %dma_wait3A_173 = arith.constant 0 : i32
      %dma_wait3A_174 = arith.constant 0 : i32
      %dma_wait3A_175 = tpu.memref_slice %arg15[%dma_wait3A_173, %dma_wait3A_174] : memref<10112x128xf32, #tpu.memory_space<vmem_shared>> -> memref<10112x128xf32, #tpu.memory_space<vmem_shared>>
      tpu.wait_indirect_dma semaphore(%arg20 : memref<!tpu.dma_semaphore, #tpu.memory_space<semaphore_mem>>) src(%arg11 : memref<80x128xf32, #tpu.memory_space<vmem>>) dst(%dma_wait3A_175 : memref<10112x128xf32, #tpu.memory_space<vmem_shared>>)
      %dma_wait3A_176 = arith.constant 320 : i32
      %dma_wait3A_177 = tpu.memref_slice %arg10[%select_n3A_26, %dma_wait3A_176] : memref<2x400xi32, #tpu.memory_space<vmem>> -> memref<1x80xi32, #tpu.memory_space<vmem>>
      %dma_wait3A_178 = tpu.memref_squeeze %dma_wait3A_177 : memref<1x80xi32, #tpu.memory_space<vmem>> -> memref<80xi32, #tpu.memory_space<vmem>>
      %dma_wait3A_179 = arith.constant 0 : i32
      %dma_wait3A_180 = arith.constant 0 : i32
      %dma_wait3A_181 = tpu.memref_slice %arg15[%dma_wait3A_179, %dma_wait3A_180] : memref<10112x128xf32, #tpu.memory_space<vmem_shared>> -> memref<10112x128xf32, #tpu.memory_space<vmem_shared>>
      tpu.wait_indirect_dma semaphore(%arg21 : memref<!tpu.dma_semaphore, #tpu.memory_space<semaphore_mem>>) src(%arg12 : memref<80x128xf32, #tpu.memory_space<vmem>>) dst(%dma_wait3A_181 : memref<10112x128xf32, #tpu.memory_space<vmem_shared>>)
      %dma_wait3A_182 = arith.constant 0 : i32
      %dma_wait3A_183 = tpu.memref_slice %arg10[%select_n3A_26, %dma_wait3A_182] : memref<2x400xi32, #tpu.memory_space<vmem>> -> memref<1x80xi32, #tpu.memory_space<vmem>>
      %dma_wait3A_184 = tpu.memref_squeeze %dma_wait3A_183 : memref<1x80xi32, #tpu.memory_space<vmem>> -> memref<80xi32, #tpu.memory_space<vmem>>
      %dma_wait3A_185 = arith.constant 0 : i32
      %dma_wait3A_186 = arith.constant 0 : i32
      %dma_wait3A_187 = tpu.memref_slice %arg16[%dma_wait3A_185, %dma_wait3A_186] : memref<10112x16xf32, #tpu.memory_space<vmem_shared>> -> memref<10112x16xf32, #tpu.memory_space<vmem_shared>>
      tpu.wait_indirect_dma semaphore(%arg23 : memref<!tpu.dma_semaphore, #tpu.memory_space<semaphore_mem>>) src(%arg14 : memref<80x16xf32, #tpu.memory_space<vmem>>) dst(%dma_wait3A_187 : memref<10112x16xf32, #tpu.memory_space<vmem_shared>>)
      %dma_wait3A_188 = arith.constant 80 : i32
      %dma_wait3A_189 = tpu.memref_slice %arg10[%select_n3A_26, %dma_wait3A_188] : memref<2x400xi32, #tpu.memory_space<vmem>> -> memref<1x80xi32, #tpu.memory_space<vmem>>
      %dma_wait3A_190 = tpu.memref_squeeze %dma_wait3A_189 : memref<1x80xi32, #tpu.memory_space<vmem>> -> memref<80xi32, #tpu.memory_space<vmem>>
      %dma_wait3A_191 = arith.constant 0 : i32
      %dma_wait3A_192 = arith.constant 0 : i32
      %dma_wait3A_193 = tpu.memref_slice %arg16[%dma_wait3A_191, %dma_wait3A_192] : memref<10112x16xf32, #tpu.memory_space<vmem_shared>> -> memref<10112x16xf32, #tpu.memory_space<vmem_shared>>
      tpu.wait_indirect_dma semaphore(%arg23 : memref<!tpu.dma_semaphore, #tpu.memory_space<semaphore_mem>>) src(%arg14 : memref<80x16xf32, #tpu.memory_space<vmem>>) dst(%dma_wait3A_193 : memref<10112x16xf32, #tpu.memory_space<vmem_shared>>)
      %dma_wait3A_194 = arith.constant 160 : i32
      %dma_wait3A_195 = tpu.memref_slice %arg10[%select_n3A_26, %dma_wait3A_194] : memref<2x400xi32, #tpu.memory_space<vmem>> -> memref<1x80xi32, #tpu.memory_space<vmem>>
      %dma_wait3A_196 = tpu.memref_squeeze %dma_wait3A_195 : memref<1x80xi32, #tpu.memory_space<vmem>> -> memref<80xi32, #tpu.memory_space<vmem>>
      %dma_wait3A_197 = arith.constant 0 : i32
      %dma_wait3A_198 = arith.constant 0 : i32
      %dma_wait3A_199 = tpu.memref_slice %arg16[%dma_wait3A_197, %dma_wait3A_198] : memref<10112x16xf32, #tpu.memory_space<vmem_shared>> -> memref<10112x16xf32, #tpu.memory_space<vmem_shared>>
      tpu.wait_indirect_dma semaphore(%arg23 : memref<!tpu.dma_semaphore, #tpu.memory_space<semaphore_mem>>) src(%arg14 : memref<80x16xf32, #tpu.memory_space<vmem>>) dst(%dma_wait3A_199 : memref<10112x16xf32, #tpu.memory_space<vmem_shared>>)
      %dma_wait3A_200 = arith.constant 240 : i32
      %dma_wait3A_201 = tpu.memref_slice %arg10[%select_n3A_26, %dma_wait3A_200] : memref<2x400xi32, #tpu.memory_space<vmem>> -> memref<1x80xi32, #tpu.memory_space<vmem>>
      %dma_wait3A_202 = tpu.memref_squeeze %dma_wait3A_201 : memref<1x80xi32, #tpu.memory_space<vmem>> -> memref<80xi32, #tpu.memory_space<vmem>>
      %dma_wait3A_203 = arith.constant 0 : i32
      %dma_wait3A_204 = arith.constant 0 : i32
      %dma_wait3A_205 = tpu.memref_slice %arg16[%dma_wait3A_203, %dma_wait3A_204] : memref<10112x16xf32, #tpu.memory_space<vmem_shared>> -> memref<10112x16xf32, #tpu.memory_space<vmem_shared>>
      tpu.wait_indirect_dma semaphore(%arg23 : memref<!tpu.dma_semaphore, #tpu.memory_space<semaphore_mem>>) src(%arg14 : memref<80x16xf32, #tpu.memory_space<vmem>>) dst(%dma_wait3A_205 : memref<10112x16xf32, #tpu.memory_space<vmem_shared>>)
      %dma_wait3A_206 = arith.constant 320 : i32
      %dma_wait3A_207 = tpu.memref_slice %arg10[%select_n3A_26, %dma_wait3A_206] : memref<2x400xi32, #tpu.memory_space<vmem>> -> memref<1x80xi32, #tpu.memory_space<vmem>>
      %dma_wait3A_208 = tpu.memref_squeeze %dma_wait3A_207 : memref<1x80xi32, #tpu.memory_space<vmem>> -> memref<80xi32, #tpu.memory_space<vmem>>
      %dma_wait3A_209 = arith.constant 0 : i32
      %dma_wait3A_210 = arith.constant 0 : i32
      %dma_wait3A_211 = tpu.memref_slice %arg16[%dma_wait3A_209, %dma_wait3A_210] : memref<10112x16xf32, #tpu.memory_space<vmem_shared>> -> memref<10112x16xf32, #tpu.memory_space<vmem_shared>>
      tpu.wait_indirect_dma semaphore(%arg23 : memref<!tpu.dma_semaphore, #tpu.memory_space<semaphore_mem>>) src(%arg14 : memref<80x16xf32, #tpu.memory_space<vmem>>) dst(%dma_wait3A_211 : memref<10112x16xf32, #tpu.memory_space<vmem_shared>>)
    }
    %scan3A_11 = arith.constant 25 : i32
    %barrier3A_12 = arith.constant 0 : index
    tpu.barrier barrier_id(%barrier3A_12)
    "tpu.region"() ({
      %run_scoped3A_13 = tpu.sem_alloc : memref<!tpu.dma_semaphore, #tpu.memory_space<semaphore_mem>>
      %dma_start3A = arith.constant 0 : i32
      %dma_start3A_14 = tpu.memref_slice %arg7[%arg0, %mul3A_2, %dma_start3A] : memref<2x10112x128xf32, #tpu.memory_space<hbm>> -> memref<1x632x128xf32, #tpu.memory_space<hbm>>
      %dma_start3A_15 = tpu.memref_squeeze %dma_start3A_14 : memref<1x632x128xf32, #tpu.memory_space<hbm>> -> memref<632x128xf32, #tpu.memory_space<hbm>>
      %dma_start3A_16 = arith.constant 0 : i32
      %dma_start3A_17 = tpu.memref_slice %arg15[%mul3A_2, %dma_start3A_16] : memref<10112x128xf32, #tpu.memory_space<vmem_shared>> -> memref<632x128xf32, #tpu.memory_space<vmem_shared>>
      tpu.enqueue_dma source(%dma_start3A_17 : memref<632x128xf32, #tpu.memory_space<vmem_shared>>) target(%dma_start3A_15 : memref<632x128xf32, #tpu.memory_space<hbm>>) target_semaphore(%run_scoped3A_13 : memref<!tpu.dma_semaphore, #tpu.memory_space<semaphore_mem>>)
      %dma_wait3A = arith.constant 0 : i32
      %dma_wait3A_18 = tpu.memref_slice %arg7[%arg0, %mul3A_2, %dma_wait3A] : memref<2x10112x128xf32, #tpu.memory_space<hbm>> -> memref<1x632x128xf32, #tpu.memory_space<hbm>>
      %dma_wait3A_19 = tpu.memref_squeeze %dma_wait3A_18 : memref<1x632x128xf32, #tpu.memory_space<hbm>> -> memref<632x128xf32, #tpu.memory_space<hbm>>
      %dma_wait3A_20 = arith.constant 0 : i32
      %dma_wait3A_21 = tpu.memref_slice %arg15[%mul3A_2, %dma_wait3A_20] : memref<10112x128xf32, #tpu.memory_space<vmem_shared>> -> memref<632x128xf32, #tpu.memory_space<vmem_shared>>
      tpu.wait_dma2 semaphore(%run_scoped3A_13 : memref<!tpu.dma_semaphore, #tpu.memory_space<semaphore_mem>>) src(%dma_wait3A_21 : memref<632x128xf32, #tpu.memory_space<vmem_shared>>) dst(%dma_wait3A_19 : memref<632x128xf32, #tpu.memory_space<hbm>>)
      tpu.yield
    }) : () -> ()
    "tpu.region"() ({
      %run_scoped3A_13 = tpu.sem_alloc : memref<!tpu.dma_semaphore, #tpu.memory_space<semaphore_mem>>
      %dma_start3A = arith.constant 0 : i32
      %dma_start3A_14 = tpu.memref_slice %arg8[%arg0, %mul3A_2, %dma_start3A] : memref<2x10112x16xf32, #tpu.memory_space<hbm>> -> memref<1x632x16xf32, #tpu.memory_space<hbm>>
      %dma_start3A_15 = tpu.memref_squeeze %dma_start3A_14 : memref<1x632x16xf32, #tpu.memory_space<hbm>> -> memref<632x16xf32, #tpu.memory_space<hbm>>
      %dma_start3A_16 = arith.constant 0 : i32
      %dma_start3A_17 = tpu.memref_slice %arg16[%mul3A_2, %dma_start3A_16] : memref<10112x16xf32, #tpu.memory_space<vmem_shared>> -> memref<632x16xf32, #tpu.memory_space<vmem_shared>>
      tpu.enqueue_dma source(%dma_start3A_17 : memref<632x16xf32, #tpu.memory_space<vmem_shared>>) target(%dma_start3A_15 : memref<632x16xf32, #tpu.memory_space<hbm>>) target_semaphore(%run_scoped3A_13 : memref<!tpu.dma_semaphore, #tpu.memory_space<semaphore_mem>>)
      %dma_wait3A = arith.constant 0 : i32
      %dma_wait3A_18 = tpu.memref_slice %arg8[%arg0, %mul3A_2, %dma_wait3A] : memref<2x10112x16xf32, #tpu.memory_space<hbm>> -> memref<1x632x16xf32, #tpu.memory_space<hbm>>
      %dma_wait3A_19 = tpu.memref_squeeze %dma_wait3A_18 : memref<1x632x16xf32, #tpu.memory_space<hbm>> -> memref<632x16xf32, #tpu.memory_space<hbm>>
      %dma_wait3A_20 = arith.constant 0 : i32
      %dma_wait3A_21 = tpu.memref_slice %arg16[%mul3A_2, %dma_wait3A_20] : memref<10112x16xf32, #tpu.memory_space<vmem_shared>> -> memref<632x16xf32, #tpu.memory_space<vmem_shared>>
      tpu.wait_dma2 semaphore(%run_scoped3A_13 : memref<!tpu.dma_semaphore, #tpu.memory_space<semaphore_mem>>) src(%dma_wait3A_21 : memref<632x16xf32, #tpu.memory_space<vmem_shared>>) dst(%dma_wait3A_19 : memref<632x16xf32, #tpu.memory_space<hbm>>)
      tpu.yield
    }) : () -> ()
    return
  }
}

module attributes {stable_mosaic.version = 14 : i64} {
  func.func @_tc_body(%arg0: i32, %arg1: memref<2x400x128xf32, #tpu.memory_space<vmem>>, %arg2: memref<2x400x16xf32, #tpu.memory_space<vmem>>, %arg3: memref<400x128xf32, #tpu.memory_space<vmem>>, %arg4: memref<128x128xf32, #tpu.memory_space<vmem>>, %arg5: memref<128x128xf32, #tpu.memory_space<vmem>>, %arg6: memref<1x128xf32, #tpu.memory_space<vmem>>, %arg7: memref<400x128xf32, #tpu.memory_space<vmem>>) attributes {dimension_semantics = [#tpu.dimension_semantics<arbitrary>], iteration_bounds = array<i64: 25>, scalar_prefetch = 0 : i64, scratch_operands = 0 : i64, tpu.core_type = #tpu.core_type<tc>, window_params = [{transform_indices = @transform_0, window_bounds = array<i64: 2, 400, 128>}, {transform_indices = @transform_1, window_bounds = array<i64: 2, 400, 16>}, {transform_indices = @transform_2, window_bounds = array<i64: 400, 128>}, {pipeline_mode = #tpu.pipeline_mode<synchronous>, transform_indices = @transform_3, window_bounds = array<i64: 128, 128>}, {pipeline_mode = #tpu.pipeline_mode<synchronous>, transform_indices = @transform_4, window_bounds = array<i64: 128, 128>}, {pipeline_mode = #tpu.pipeline_mode<synchronous>, transform_indices = @transform_5, window_bounds = array<i64: 1, 128>}, {transform_indices = @transform_6, window_bounds = array<i64: 400, 128>}]} {
    %get3A = arith.constant 0 : index
    %get3A_0 = arith.constant 0 : index
    %get3A_1 = arith.constant 0 : index
    %get3A_2 = vector.load %arg1[%get3A, %get3A_0, %get3A_1] : memref<2x400x128xf32, #tpu.memory_space<vmem>>, vector<1x400x128xf32>
    %get3A_3 = vector.shape_cast %get3A_2 : vector<1x400x128xf32> to vector<400x128xf32>
    %get3A_4 = arith.constant 1 : index
    %get3A_5 = arith.constant 0 : index
    %get3A_6 = arith.constant 0 : index
    %get3A_7 = vector.load %arg1[%get3A_4, %get3A_5, %get3A_6] : memref<2x400x128xf32, #tpu.memory_space<vmem>>, vector<1x400x128xf32>
    %get3A_8 = vector.shape_cast %get3A_7 : vector<1x400x128xf32> to vector<400x128xf32>
    %add3A = arith.addf %get3A_3, %get3A_8 : vector<400x128xf32>
    %get3A_9 = arith.constant 0 : index
    %get3A_10 = arith.constant 0 : index
    %get3A_11 = arith.constant 0 : index
    %get3A_12 = vector.load %arg2[%get3A_9, %get3A_10, %get3A_11] : memref<2x400x16xf32, #tpu.memory_space<vmem>>, vector<1x400x16xf32>
    %get3A_13 = vector.shape_cast %get3A_12 : vector<1x400x16xf32> to vector<400x16xf32>
    %get3A_14 = arith.constant 1 : index
    %get3A_15 = arith.constant 0 : index
    %get3A_16 = arith.constant 0 : index
    %get3A_17 = vector.load %arg2[%get3A_14, %get3A_15, %get3A_16] : memref<2x400x16xf32, #tpu.memory_space<vmem>>, vector<1x400x16xf32>
    %get3A_18 = vector.shape_cast %get3A_17 : vector<1x400x16xf32> to vector<400x16xf32>
    %add3A_19 = arith.addf %get3A_13, %get3A_18 : vector<400x16xf32>
    %slice3A = vector.extract_strided_slice %add3A_19 {offsets = [0, 0], sizes = [400, 1], strides = [1, 1]} : vector<400x16xf32> to vector<400x1xf32>
    %max3A = arith.constant 1.000000e+00 : f32
    %max3A_20 = vector.broadcast %max3A : f32 to vector<400x1xf32>
    %max3A_21 = arith.maximumf %slice3A, %max3A_20 : vector<400x1xf32>
    %div3A = arith.constant 1.000000e+00 : f32
    %div3A_22 = vector.broadcast %div3A : f32 to vector<400x1xf32>
    %div3A_23 = arith.divf %div3A_22, %max3A_21 : vector<400x1xf32>
    %mul3A = vector.broadcast %div3A_23 : vector<400x1xf32> to vector<400x128xf32>
    %mul3A_24 = arith.mulf %add3A, %mul3A : vector<400x128xf32>
    %get3A_25 = arith.constant 0 : index
    %get3A_26 = arith.constant 0 : index
    %get3A_27 = vector.load %arg4[%get3A_25, %get3A_26] : memref<128x128xf32, #tpu.memory_space<vmem>>, vector<128x128xf32>
    %transpose3A = tpu.transpose %get3A_27, [1, 0] : vector<128x128xf32> -> vector<128x128xf32>
    %dot_general3A = arith.constant dense<0.000000e+00> : vector<400x128xf32>
    %dot_general3A_28 = tpu.matmul %mul3A_24, %transpose3A, %dot_general3A {dimension_numbers = #tpu.dot_dimension_numbers<[1], [0], [0], [1], [0, 0, 1, 1], [], []>, transpose_lhs_hint = false} : vector<400x128xf32>, vector<128x128xf32>, vector<400x128xf32> -> vector<400x128xf32>
    %get3A_29 = arith.constant 0 : index
    %get3A_30 = arith.constant 0 : index
    %get3A_31 = vector.load %arg3[%get3A_29, %get3A_30] : memref<400x128xf32, #tpu.memory_space<vmem>>, vector<400x128xf32>
    %get3A_32 = arith.constant 0 : index
    %get3A_33 = arith.constant 0 : index
    %get3A_34 = vector.load %arg5[%get3A_32, %get3A_33] : memref<128x128xf32, #tpu.memory_space<vmem>>, vector<128x128xf32>
    %transpose3A_35 = tpu.transpose %get3A_34, [1, 0] : vector<128x128xf32> -> vector<128x128xf32>
    %dot_general3A_36 = arith.constant dense<0.000000e+00> : vector<400x128xf32>
    %dot_general3A_37 = tpu.matmul %get3A_31, %transpose3A_35, %dot_general3A_36 {dimension_numbers = #tpu.dot_dimension_numbers<[1], [0], [0], [1], [0, 0, 1, 1], [], []>, transpose_lhs_hint = false} : vector<400x128xf32>, vector<128x128xf32>, vector<400x128xf32> -> vector<400x128xf32>
    %add3A_38 = arith.addf %dot_general3A_28, %dot_general3A_37 : vector<400x128xf32>
    %get3A_39 = arith.constant 0 : index
    %get3A_40 = arith.constant 0 : index
    %get3A_41 = vector.load %arg6[%get3A_39, %get3A_40] : memref<1x128xf32, #tpu.memory_space<vmem>>, vector<1x128xf32>
    %add3A_42 = vector.broadcast %get3A_41 : vector<1x128xf32> to vector<400x128xf32>
    %add3A_43 = arith.addf %add3A_38, %add3A_42 : vector<400x128xf32>
    %swap3A = arith.constant 0 : index
    %swap3A_44 = arith.constant 0 : index
    %swap3A_45 = vector.load %arg7[%swap3A, %swap3A_44] : memref<400x128xf32, #tpu.memory_space<vmem>>, vector<400x128xf32>
    tpu.vector_store %arg7[%swap3A, %swap3A_44], %add3A_43 {strides = array<i32>} : memref<400x128xf32, #tpu.memory_space<vmem>>, vector<400x128xf32>,
    return
  }
  func.func @transform_0(%arg0: i32) -> (i32, i32, i32) {
    %c0_i32 = arith.constant 0 : i32
    %c0_i32_0 = arith.constant 0 : i32
    %c0_i32_1 = arith.constant 0 : i32
    return %c0_i32, %arg0, %c0_i32_0 : i32, i32, i32
  }
  func.func @transform_1(%arg0: i32) -> (i32, i32, i32) {
    %c0_i32 = arith.constant 0 : i32
    %c0_i32_0 = arith.constant 0 : i32
    %c0_i32_1 = arith.constant 0 : i32
    return %c0_i32, %arg0, %c0_i32_0 : i32, i32, i32
  }
  func.func @transform_2(%arg0: i32) -> (i32, i32) {
    %c0_i32 = arith.constant 0 : i32
    %c0_i32_0 = arith.constant 0 : i32
    return %arg0, %c0_i32 : i32, i32
  }
  func.func @transform_3(%arg0: i32) -> (i32, i32) {
    %c0_i32 = arith.constant 0 : i32
    %c0_i32_0 = arith.constant 0 : i32
    %c0_i32_1 = arith.constant 0 : i32
    return %c0_i32, %c0_i32_0 : i32, i32
  }
  func.func @transform_4(%arg0: i32) -> (i32, i32) {
    %c0_i32 = arith.constant 0 : i32
    %c0_i32_0 = arith.constant 0 : i32
    %c0_i32_1 = arith.constant 0 : i32
    return %c0_i32, %c0_i32_0 : i32, i32
  }
  func.func @transform_5(%arg0: i32) -> (i32, i32) {
    %c0_i32 = arith.constant 0 : i32
    %c0_i32_0 = arith.constant 0 : i32
    %c0_i32_1 = arith.constant 0 : i32
    return %c0_i32, %c0_i32_0 : i32, i32
  }
  func.func @transform_6(%arg0: i32) -> (i32, i32) {
    %c0_i32 = arith.constant 0 : i32
    %c0_i32_0 = arith.constant 0 : i32
    return %arg0, %c0_i32 : i32, i32
  }
}

</mosaic_0001>

<sc_bundles>
// kernel: kernel.4.cloned.1.call-start
scs
__scs_entry_jumppad:
0x0: {  	(pc) =	sbr.rel $0x88, $3  }
0x1: {  	(tag) =	ssettag $0x0;
	lr =	simm.s32 $0x1  }
0x2: {  	[smem:$0x3F9C] =	sst lr;
	_ =	strace $0xD0000000  }
0x3: {  	_ = 	snop  }
0x4: {  	_ = 	snop  }
0x5: {  	_ = 	snop  }
0x6: {  	_ = 	snop  }
0x7: {  	_ = 	snop  }
__scs_overlays_trampoline_lowered:
0x8: {  	[smem:$0x3FAB] =	sst s0  }
0x9: {  	[smem:$0x3FAC] =	sst s1  }
0xa: {  	[smem:$0x3FAD] =	sst s2  }
0xb: {  	[smem:$0x3FAE] =	sst s3  }
0xc: {  	[smem:$0x3FAF] =	sst s4  }
0xd: {  	[smem:$0x3FB0] =	sst s5  }
0xe: {  	[smem:$0x3FB1] =	sst s6  }
0xf: {  	[smem:$0x3FB2] =	sst s7  }
0x10: {  	[smem:$0x3FB3] =	sst s8  }
0x11: {  	[smem:$0x3FB4] =	sst s9;
	s0 =	simm.s32 @!p0 $0x0  }
0x12: {  	s1 =	sld [smem:$0x3F9A];
	s0 =	simm.s32 @p0 $0x1  }
0x13: {  	[smem:$0x3FB5] =	sst s0;
	s0 =	simm.s32 @!p1 $0x0  }
0x14: {  	s2 =	sld [smem:$0x3F99];
	s0 =	simm.s32 @p1 $0x1  }
0x15: {  	[smem:$0x3FB6] =	sst s0;
	s0 =	simm.s32 @!p2 $0x0  }
0x16: {  	s3 =	sld [smem:$0x3FDB];
	s0 =	simm.s32 @p2 $0x1  }
0x17: {  	s4 =	simm.s32 $0x1BF5;
	[smem:$0x3FB8] =	sst s0  }
0x18: {  	s0 =	sld [smem:$0x3F9B];
	_ =	swait.ge [sflag:s4], $0x0  }
0x19: {  	s7 =	sld [smem:$0x3F9C]  }
0x1a: {  	s8 =	sadd.s32 $0xFFFFE003, lr  }
0x1b: {  	s9 =	sadd.s32 $0xFFFFFEF7, lr;
	s5 =	simm.s32 $0xFFFFFFFF;
	p2 =	slt.u32 s8, $0xFFFFF086  }
0x1c: {  	p1 =	slt.u32 s9, $0xF7A;
	s5 =	simm.s32 @!p2 $0x0  }
0x1d: {  	s5 =	simm.s32 @p1 $0x1;
	p0 =	seq.s32 s7, s2  }
0x1e: {  	s7 =	smul.u32 @!p0 $0xF7A, s2;
	p2 =	seq.s32 @!p0 s5, $0x0  }
0x1f: {  	s9 =	smul.u32 $0xF7A, s1;
	s8 =	simm.s32 @!p0 $0x1BF5;
	p2 =	por !p2, p0  }
0x20: {  	[sflag:s8] =	ssyncset.s32 @!p0 $0xFFFFF086;
	s6 =	sadd.s32 @!p0 s3, s7;
	s7 =	simm.s32 @!p0 $0x108  }
0x21: {  	s3 =	sadd.s32 s3, s9;
	s6 =	sadd.s32 @!p0 $0x88, s6;
	s7 =	simm.s32 @p2 $0x1082  }
0x22: {  	[simem:s7], [sflag:s8] =	dma.local @!p0 [hbm:s6], $0xF7A  }
0x23: {  	s9 =	sor.u32 $0xD0000000, s2;
	s6 =	simm.s32 $0x108;
	_ =	swait.ge @!p0 [sflag:s8], $0x0  }
0x24: {  	s3 =	sadd.s32 $0x88, s3;
	s6 =	simm.s32 @!p1 $0x1082;
	[sflag:s4] =	ssyncset.s32 $0xFFFFF086  }
0x25: {  	[simem:s6], [sflag:s4] =	dma.local [hbm:s3], $0xF7A  }
0x26: {  	[smem:$0x3F9C] =	sst s1;
	(tag) =	ssettag s2;
	_ =	strace s9  }
0x27: {  	s1 =	sld [smem:$0x3FAC]  }
0x28: {  	s2 =	sld [smem:$0x3FAD]  }
0x29: {  	s4 =	sld [smem:$0x3FAF]  }
0x2a: {  	p0 =	seq.s32 s5, $0x0;
	s5 =	sld [smem:$0x3FB0]  }
0x2b: {  	s6 =	sld [smem:$0x3FB1]  }
0x2c: {  	s7 =	sld [smem:$0x3FB2]  }
0x2d: {  	s3 =	simm.s32 $0x108;
	s8 =	sld [smem:$0x3FB3]  }
0x2e: {  	s3 =	simm.s32 @!p0 $0x1082;
	s9 =	sld [smem:$0x3FB4]  }
0x2f: {  	lr =	sadd.s32 s0, s3;
	s0 =	sld [smem:$0x3FAB]  }
0x30: {  	s3 =	sld [smem:$0x3FAE]  }
0x31: {  	[smem:$0x3FB7] =	sst s10  }
0x32: {  	s10 =	sld [smem:$0x3FB5];
	_ =	sdelay $0x3  }
0x33: {  	p0 =	seq.s32 s10, $0x1;
	s10 =	sld [smem:$0x3FB7];
	_ =	sdelay $0x3  }
0x34: {  	[smem:$0x3FB7] =	sst s10  }
0x35: {  	s10 =	sld [smem:$0x3FB6];
	_ =	sdelay $0x3  }
0x36: {  	p1 =	seq.s32 s10, $0x1;
	s10 =	sld [smem:$0x3FB7];
	_ =	sdelay $0x3  }
0x37: {  	[smem:$0x3FB7] =	sst s10  }
0x38: {  	s10 =	sld [smem:$0x3FB8]  }
0x39: {  	_ = 	snop;
	(pc) =	sbr.ind lr, $3  }
0x3a: {  	_ = 	snop  }
0x3b: {  	_ = 	snop  }
0x3c: {  	p2 =	seq.s32 s10, $0x1;
	s10 =	sld [smem:$0x3FB7]  }
0x3d: {  	_ =	shalt  }
0x3e: {  	_ =	shalt  }
0x3f: {  	_ =	shalt  }
0x40: {  	_ =	shalt  }
0x41: {  	_ =	shalt  }
0x42: {  	_ =	shalt  }
0x43: {  	_ =	shalt  }
0x44: {  	_ =	shalt  }
0x45: {  	_ =	shalt  }
0x46: {  	_ =	shalt  }
0x47: {  	_ =	shalt  }
0x48: {  	_ =	shalt  }
0x49: {  	_ =	shalt  }
0x4a: {  	_ =	shalt  }
0x4b: {  	_ =	shalt  }
0x4c: {  	_ =	shalt  }
0x4d: {  	_ =	shalt  }
0x4e: {  	_ =	shalt  }
0x4f: {  	_ =	shalt  }
0x50: {  	_ =	shalt  }
0x51: {  	_ =	shalt  }
0x52: {  	_ =	shalt  }
0x53: {  	_ =	shalt  }
0x54: {  	_ =	shalt  }
0x55: {  	_ =	shalt  }
0x56: {  	_ =	shalt  }
0x57: {  	_ =	shalt  }
0x58: {  	_ =	shalt  }
0x59: {  	_ =	shalt  }
0x5a: {  	_ =	shalt  }
0x5b: {  	_ =	shalt  }
0x5c: {  	_ =	shalt  }
0x5d: {  	_ =	shalt  }
0x5e: {  	_ =	shalt  }
0x5f: {  	_ =	shalt  }
0x60: {  	_ =	shalt  }
0x61: {  	_ =	shalt  }
0x62: {  	_ =	shalt  }
0x63: {  	_ =	shalt  }
0x64: {  	_ =	shalt  }
0x65: {  	_ =	shalt  }
0x66: {  	_ =	shalt  }
0x67: {  	_ =	shalt  }
0x68: {  	_ =	shalt  }
0x69: {  	_ =	shalt  }
0x6a: {  	_ =	shalt  }
0x6b: {  	_ =	shalt  }
0x6c: {  	_ =	shalt  }
0x6d: {  	_ =	shalt  }
0x6e: {  	_ =	shalt  }
0x6f: {  	_ =	shalt  }
0x70: {  	_ =	shalt  }
0x71: {  	_ =	shalt  }
0x72: {  	_ =	shalt  }
0x73: {  	_ =	shalt  }
0x74: {  	_ =	shalt  }
0x75: {  	_ =	shalt  }
0x76: {  	_ =	shalt  }
0x77: {  	_ =	shalt  }
0x78: {  	_ =	shalt  }
0x79: {  	_ =	shalt  }
0x7a: {  	_ =	shalt  }
0x7b: {  	_ =	shalt  }
0x7c: {  	_ =	shalt  }
0x7d: {  	_ =	shalt  }
0x7e: {  	_ =	shalt  }
0x7f: {  	_ =	shalt  }
0x80: {  	_ =	shalt  }
0x81: {  	_ =	shalt  }
0x82: {  	_ =	shalt  }
0x83: {  	_ =	shalt  }
0x84: {  	_ =	shalt  }
0x85: {  	_ =	shalt  }
0x86: {  	_ =	shalt  }
0x87: {  	_ =	shalt  }
.Lfunc_end0:
.L_simem_size_0:
called_computation_lowered:
.L_overlay_start_0:
0x88: {  	s2 =	sld [smem:$0x3FD9]  }
0x89: {  	s3 =	sld [smem:$0x3FFE];
	_ =	sdelay $0x1  }
0x8a: {  	s1 =	srdreg.scid  }
0x8b: {  	s0 =	sand.u32 $0x1, s1  }
0x8c: {  	s17 =	sshll.u32 s0, $0xA;
	s2 =	sadd.s32 s3, s2  }
0x8d: {  	s2 =	sadd.s32 s2, s17  }
0x8e: {  	[smem:$0x3FC3] =	sst s2  }
0x8f: {  	_ = 	snop  }
0x90: {  	s2 =	sld [smem:$0x3FC9]  }
0x91: {  	s18 =	sld [smem:$0x3FD0];
	(tm) =	ssettm $0x1  }
0x92: {  	s4 =	sld [smem:$0x3FFB];
	_ =	sdelay $0x3  }
0x93: {  	_ =	strace s4  }
0x94: {  	s4 =	sld [smem:$0x3FFC];
	_ =	sdelay $0x3  }
0x95: {  	_ =	strace s4  }
0x96: {  	s4 =	sld [smem:$0x3FFD];
	_ =	sdelay $0x3  }
0x97: {  	_ =	strace s4  }
0x98: {  	_ =	strace $0x8FFFFFFF  }
0x99: {  	s19 =	sld [smem:$0x3FDB];
	_ =	sdelay $0x1  }
0x9a: {  	s5 =	simm.s32 $_scs_section_size  }
0x9b: {  	s6 =	simm.s32 $_size__tile_overlayer_lowered;
	s7 =	simm.s32 $_tile_overlayer_lowered  }
0x9c: {  	s22 =	simm.s32 $0x1BFF;
	s21 =	sshll.u32 s7, $0x1;
	s4 =	sadd.s32 s5, s19  }
0x9d: {  	s8 =	simm.s32 $0x0;
	s20 =	sshll.u32 s6, $0x1;
	s6 =	sadd.s32 s21, s4  }
0x9e: {  	[timem:s8], [sflag:s22] =	dma.local [hbm:s6], s20  }
0x9f: {  	_ =	swait.ge [sflag:s22], s20  }
0xa0: {  	s5 =	ssub.s32 $0x0, s20;
	[sflag:s22] =	ssyncset.done $0x0  }
0xa1: {  	[sflag:s22] =	ssyncadd.s32 s5;
	_ =	sdelay $0x1  }
0xa2: {  	s23 =	simm.s32 $0x1B8B  }
0xa3: {  	_ =	swait.ge [sflag:s23], $0x1  }
0xa4: {  	[sflag:s23] =	ssyncset.done $0x0  }
0xa5: {  	s25 =	simm.s32 $0x1B8E;
	s24 =	sld [smem:$0x3FFE];
	[sflag:s23] =	ssyncadd.s32 $0xFFFFFFFF  }
0xa6: {  	s26 =	simm.s32 $execute0_lowered;
	[smem:$0x3FD2] =	sst s25  }
0xa7: {  	s6 =	sshll.u32 s26, $0x1;
	_ =	strace $0x80000046;
	[dreg:$0x1] =	wrdreg $0xFFFFFFFF  }
0xa8: {  	s28 =	simm.s32 $_size_execute0_lowered;
	s4 =	sadd.s32 s4, s6;
	[dreg:$0x0] =	wrdreg $0x0  }
0xa9: {  	s6 =	sshll.u32 s28, $0x1;
	[dreg:$0x2] =	wrdreg s4  }
0xaa: {  	[dreg:$0x3] =	wrdreg s6  }
0xab: {  	[dreg:$0x4] =	wrdreg $0xC0  }
0xac: {  	_ =	task [dreg:s8], $0x5FFFF  }
0xad: {  	[dreg:$0x1] =	wrdreg $0xFFFFFFFF  }
0xae: {  	[dreg:$0x0] =	wrdreg $0x60  }
0xaf: {  	[dreg:$0x2] =	wrdreg s2  }
0xb0: {  	[dreg:$0x3] =	wrdreg s18  }
0xb1: {  	[dreg:$0x4] =	wrdreg s24  }
0xb2: {  	[dreg:$0x5] =	wrdreg $0x83400  }
0xb3: {  	[dreg:$0x6] =	wrdreg $0x1BF400  }
0xb4: {  	[dreg:$0x7] =	wrdreg $0x9  }
0xb5: {  	_ =	task.clear_ibuf [dreg:s8], $0x8FFFF;
	_ =	strace $0x90000046  }
0xb6: {  	s29 =	simm.s32 $0x9;
	_ =	strace $0x80000048  }
0xb7: {  	_ =	swait.ge [sflag:s29], $0x1  }
0xb8: {  	[sflag:s29] =	ssyncadd.s32 $0xFFFFFFFF  }
0xb9: {  	_ =	strace $0x90000048  }
0xba: {  	_ =	sfence  }
0xbb: {  	s30 =	sld [smem:$0x0];
	_ =	sdelay $0x2  }
0xbc: {  	s31 =	sshll.u32 s1, $0xD;
	s1 =	sshrl.u32 s1, $0x2  }
0xbd: {  	s3 =	sand.u32 $0x4000, s31;
	s1 =	sadd.s32 s1, s30  }
0xbe: {  	s0 =	sor.u32 s3, s0;
	s1 =	sshll.u32 s1, $0x11  }
0xbf: {  	s0 =	sor.u32 s1, s0  }
0xc0: {  	s0 =	sadd.s32 $0x8F2B, s0  }
0xc1: {  	[sflag:s0] =	ssyncadd.remote.s32 $0x1  }
0xc2: {  	_ =	sfence.sel $0xFFFF  }
0xc3: {  	[dreg:$0x0] =	wrdreg $0xFFFFFFFF;
	(pc) =	sbr.abs _section_cstart, $3  }
0xc4: {  	[dreg:$0x1] =	wrdreg $0xFFFFFFFF  }
0xc5: {  	_ =	task.clear_ibuf [dreg:s8], $0x2FFFF;
	_ =	strace $0x9FFFFFFF  }
0xc6: {  	(tm) =	ssettm $0x7FFFFFFF  }
0xc7: {  	_ =	shalt  }
tec
execute0_lowered:
.L_overlay_start_1:
0x0: {  	(tag) =	ssettag $0x1  }
0x1: {  	s1 =	rddreg [dreg:$0x0]  }
0x2: {  	s2 =	rddreg [dreg:$0x1]  }
0x3: {  	s0 =	rddreg [dreg:$0x2]  }
0x4: {  	s4 =	rddreg [dreg:$0x3]  }
0x5: {  	s5 =	rddreg [dreg:$0x4]  }
0x6: {  	s3 =	srdreg.scid;
	s14 =	stileid.u32  }
0x7: {  	s6 =	simm.s32 $0x0;
	s19 =	simm.s32 $0xA;
	s28 =	simm.s32 $0x5640  }
0x8: {  	s29 =	simm.s32 $0x2;
	s30 =	simm.s32 $0x4;
	s31 =	simm.s32 $0x3  }
0x9: {  	s3 =	sand.u32 $0x1, s3;
	s7 =	smul.u32 $0x13C00, s14;
	[smem:$0x7FF] =	sst s6  }
0xa: {  	s9 =	sadd.s32 $0x2000, s0;
	s20 =	smul.u32 $0x2780, s14;
	s10 =	sadd.s32 $0x1A00, s0  }
0xb: {  	s11 =	sadd.s32 $0x1800, s0;
	s22 =	sshll.u32 s14, $0x1;
	s23 =	smul.u32 $0x4E20, s14  }
0xc: {  	s8 =	smul.u32 $0x13C000, s3;
	_ =	strace $0x80000047;
	[dreg:$0x6] =	wrdreg s9  }
0xd: {  	s24 =	sshll.u32 s14, $0x6;
	[dreg:$0x7] =	wrdreg s10;
	s21 =	smul.u32 $0x27800, s3  }
0xe: {  	[dreg:$0x8] =	wrdreg s11;
	s12 =	ssub.s32 $0x2, s3;
	s11 =	sor.u32 s3, s22  }
0xf: {  	s3 =	smul.u32 $0x2710, s3;
	s22 =	simm.s32 $0x7;
	s13 =	sshrl.u32 s12, $0x1  }
0x10: {  	s11 =	smul.u32 $0x2710, s11;
	s16 =	sadd.s32 s20, s5;
	s8 =	sadd.s32 s7, s8  }
0x11: {  	s10 =	sadd.s32 s20, s21;
	s12 =	ssub.s32 s12, s13;
	s7 =	sadd.s32 s7, s4  }
0x12: {  	s3 =	sadd.s32 s3, s23;
	s20 =	sshrl.u32 s16, $0x3;
	s21 =	simm.s32 $0x7E40  }
0x13: {  	s23 =	simm.s32 $0x50;
	s8 =	sshrl.u32 s8, $0x3;
	s10 =	sshrl.u32 s10, $0x3  }
0x14: {  	s11 =	sshrl.u32 s11, $0x3;
	s26 =	sadd.s32 $0x4E390, s3;
	s15 =	smax.u32 s12, $0x1  }
0x15: {  	s9 =	sadd.s32 $0x190, s3;
	s18 =	sshrl.u32 s7, $0x3;
	s3 =	simm.s32 $0x6  }
0x16: {  	s7 =	simm.s32 $0x0;
	s8 =	sadd.s32 s8, s0;
	s11 =	sadd.s32 s2, s11  }
0x17: {  	s0 =	sadd.s32 s10, s0;
	[dreg:$0x9] =	wrdreg s11;
	s25 =	sadd.s32 $0x9C40, s11  }
0x18: {  	s10 =	sor.u32 $0x1C0A, s24;
	s8 =	sadd.s32 $0xE600, s8;
	[dreg:$0xa] =	wrdreg s25  }
0x19: {  	s24 =	simm.s32 $0x640;
	s0 =	sadd.s32 $0x4800, s0;
	[dreg:$0xb] =	wrdreg s8  }
0x1a: {  	[dreg:$0xc] =	wrdreg s0;
	s0 =	sshrl.u32 s26, $0x3;
	s25 =	simm.s32 $0x2E40  }
0x1b: {  	s26 =	simm.s32 $0x1;
	s8 =	sadd.s32 s0, s2;
	s0 =	simm.s32 $0x5  }
.LBB2_1:
0x1c: {  	s11 =	rddreg [dreg:$0x6]  }
0x1d: {  	[spmem:s18], [sflag:s10] =	dma.local [hbm:s11], $0x2780  }
0x1e: {  	_ =	swait.ge [sflag:s19], $0x2780  }
0x1f: {  	[sflag:s19] =	ssyncset.done $0x0  }
0x20: {  	s13 =	rddreg [dreg:$0x7];
	[sflag:s19] =	ssyncadd.s32 $0xFFFFD880  }
0x21: {  	[spmem:s20], [sflag:s10] =	dma.local [hbm:s13], $0x4F0  }
0x22: {  	_ =	swait.ge [sflag:s19], $0x4F0  }
0x23: {  	[sflag:s19] =	ssyncset.done $0x0  }
0x24: {  	s14 =	rddreg [dreg:$0x8];
	[sflag:s19] =	ssyncadd.s32 $0xFFFFFB10  }
0x25: {  	[tilespmem:s21], [sflag:$0xA] =	stream.linear.gather [hbm4b:s14+s6], $0x500, $0x38;
	[tilespmem:$0x1E6C0] =	vst v63  }
0x26: {  	_ =	swait.ge [sflag:s19], $0x500  }
0x27: {  	[sflag:s19] =	ssyncset.done $0x0  }
0x28: {  	s16 =	rddreg [dreg:$0x9];
	[sflag:s19] =	ssyncadd.s32 $0xFFFFFB00  }
0x29: {  	[tilespmem:s6], [sflag:$0xA] =	stream.linear.gather [hbm4b:s16+s6], $0x190, $0x38;
	[tilespmem:$0x1E6C0] =	vst v63  }
0x2a: {  	_ =	swait.ge [sflag:s19], $0x190  }
0x2b: {  	[sflag:s19] =	ssyncset.done $0x0  }
0x2c: {  	s12 =	simm.s32 $0x320;
	s17 =	rddreg [dreg:$0xa];
	[sflag:s19] =	ssyncadd.s32 $0xFFFFFE70  }
0x2d: {  	[tilespmem:s12], [sflag:$0xA] =	stream.linear.gather [hbm4b:s17+s6], $0x190, $0x38;
	[tilespmem:$0x1E6C0] =	vst v63  }
0x2e: {  	_ =	swait.ge [sflag:s19], $0x190  }
0x2f: {  	[sflag:s19] =	ssyncset.done $0x0  }
0x30: {  	s16 =	smov.u32 s9;
	[sflag:s19] =	ssyncadd.s32 $0xFFFFFE70  }
0x31: {  	s17 =	smov.u32 s8;
	s12 =	simm.s32 $0x0;
	[bflag:$0x0] =	sbarrier.arrive $0xFFFF  }
.LBB2_2:
0x32: {  	p0 =	seq.s32 s12, $0x0  }
0x33: {  	s13 =	simm.s32 @!p0 $0x8  }
0x34: {  	_ =	swait.ge @!p0 [sflag:s13], $0x190  }
0x35: {  	[sflag:s13] =	ssyncset.done @!p0 $0x0  }
0x36: {  	s14 =	simm.s32 @!p0 $0x9;
	[sflag:s13] =	ssyncadd.s32 @!p0 $0xFFFFFE70  }
0x37: {  	p1 =	seq.s32 @!p0 s12, $0x18;
	_ =	swait.ge @!p0 [sflag:s14], $0x190  }
0x38: {  	p1 =	por p0, !p1;
	s13 =	sand.u32 $0x1, s12;
	[sflag:s14] =	ssyncset.done @!p0 $0x0  }
0x39: {  	[sflag:s14] =	ssyncadd.s32 @!p0 $0xFFFFFE70;
	s14 =	sxor.u32 @p1 $0x1, s13  }
0x3a: {  	s11 =	sshrl.u32 @p1 s16, $0x3;
	s14 =	smul.u32 @p1 $0x190, s14  }
0x3b: {  	s11 =	sadd.s32 @p1 s2, s11  }
0x3c: {  	[tilespmem:s14], [sflag:$0x8] =	stream.linear.gather @p1 [hbm4b:s11+s6], $0x190, $0x38;
	[tilespmem:$0x1E6C0] =	vst v63  }
0x3d: {  	s11 =	sadd.s32 @p1 $0x320, s14  }
0x3e: {  	[tilespmem:s11], [sflag:$0x9] =	stream.linear.gather @p1 [hbm4b:s17+s6], $0x190, $0x38;
	[tilespmem:$0x1E6C0] =	vst v63  }
0x3f: {  	s11 =	smul.u32 $0x190, s13;
	_ =	sdelay $0x1  }
0x40: {  	[tilespmem:s24], [sflag:$0x1] =	stream.indirect.gather [hbm4b:s1+s23], $0x80, s11, s23, $0xb8;
	[tilespmem:$0x1E6C0] =	vst v63  }
0x41: {  	s13 =	sadd.s32 $0x50, s11  }
0x42: {  	[tilespmem:s25], [sflag:$0x2] =	stream.indirect.gather [hbm4b:s1+s23], $0x80, s13, s23, $0xb8;
	[tilespmem:$0x1E6C0] =	vst v63  }
0x43: {  	_ =	swait.ge [sflag:s26], $0x2800  }
0x44: {  	[sflag:s26] =	ssyncset.done $0x0  }
0x45: {  	s14 =	sadd.s32 $0x320, s11;
	[sflag:s26] =	ssyncadd.s32 $0xFFFFD800  }
0x46: {  	[spmem:s4] =	stream.indirect.scatter.add.f32 [tilespmem:s24], [sflag:$0x4], $0x80, s14, s23, $0xb8;
	[tilespmem:$0x1E6C0] =	vst v63  }
0x47: {  	_ = 	snop  }
0x48: {  	[spmem:s5] =	stream.indirect.scatter.add.f32 [tilespmem:s21], [sflag:$0x7], $0x10, s14, s23, $0xb8;
	[tilespmem:$0x1E6C0] =	vst v63  }
0x49: {  	s14 =	sadd.s32 $0xA0, s11  }
0x4a: {  	[tilespmem:s28], [sflag:$0x3] =	stream.indirect.gather [hbm4b:s1+s23], $0x80, s14, s23, $0xb8;
	[tilespmem:$0x1E6C0] =	vst v63  }
0x4b: {  	_ =	swait.ge [sflag:s29], $0x2800  }
0x4c: {  	[sflag:s29] =	ssyncset.done $0x0  }
0x4d: {  	s14 =	sadd.s32 $0x370, s11;
	[sflag:s29] =	ssyncadd.s32 $0xFFFFD800  }
0x4e: {  	[spmem:s4] =	stream.indirect.scatter.add.f32 [tilespmem:s25], [sflag:$0x5], $0x80, s14, s23, $0xb8;
	[tilespmem:$0x1E6C0] =	vst v63  }
0x4f: {  	_ = 	snop  }
0x50: {  	[spmem:s5] =	stream.indirect.scatter.add.f32 [tilespmem:s21], [sflag:$0x7], $0x10, s14, s23, $0xb8;
	[tilespmem:$0x1E6C0] =	vst v63  }
0x51: {  	_ =	swait.ge [sflag:s30], $0x2800  }
0x52: {  	[sflag:s30] =	ssyncset.done $0x0  }
0x53: {  	s14 =	sadd.s32 $0xF0, s11;
	[sflag:s30] =	ssyncadd.s32 $0xFFFFD800  }
0x54: {  	[tilespmem:s24], [sflag:$0x1] =	stream.indirect.gather [hbm4b:s1+s23], $0x80, s14, s23, $0xb8;
	[tilespmem:$0x1E6C0] =	vst v63  }
0x55: {  	_ =	swait.ge [sflag:s31], $0x2800  }
0x56: {  	[sflag:s31] =	ssyncset.done $0x0  }
0x57: {  	s14 =	sadd.s32 $0x3C0, s11;
	[sflag:s31] =	ssyncadd.s32 $0xFFFFD800  }
0x58: {  	[spmem:s4] =	stream.indirect.scatter.add.f32 [tilespmem:s28], [sflag:$0x6], $0x80, s14, s23, $0xb8;
	[tilespmem:$0x1E6C0] =	vst v63  }
0x59: {  	_ = 	snop  }
0x5a: {  	[spmem:s5] =	stream.indirect.scatter.add.f32 [tilespmem:s21], [sflag:$0x7], $0x10, s14, s23, $0xb8;
	[tilespmem:$0x1E6C0] =	vst v63  }
0x5b: {  	_ =	swait.ge [sflag:s0], $0x2800  }
0x5c: {  	[sflag:s0] =	ssyncset.done $0x0  }
0x5d: {  	s14 =	sadd.s32 $0x140, s11;
	[sflag:s0] =	ssyncadd.s32 $0xFFFFD800  }
0x5e: {  	[tilespmem:s25], [sflag:$0x2] =	stream.indirect.gather [hbm4b:s1+s23], $0x80, s14, s23, $0xb8;
	[tilespmem:$0x1E6C0] =	vst v63  }
0x5f: {  	_ =	swait.ge [sflag:s26], $0x2800  }
0x60: {  	[sflag:s26] =	ssyncset.done $0x0  }
0x61: {  	s14 =	sadd.s32 $0x410, s11;
	[sflag:s26] =	ssyncadd.s32 $0xFFFFD800  }
0x62: {  	[spmem:s4] =	stream.indirect.scatter.add.f32 [tilespmem:s24], [sflag:$0x4], $0x80, s14, s23, $0xb8;
	[tilespmem:$0x1E6C0] =	vst v63  }
0x63: {  	_ = 	snop  }
0x64: {  	[spmem:s5] =	stream.indirect.scatter.add.f32 [tilespmem:s21], [sflag:$0x7], $0x10, s14, s23, $0xb8;
	[tilespmem:$0x1E6C0] =	vst v63  }
0x65: {  	_ =	swait.ge [sflag:s29], $0x2800  }
0x66: {  	[sflag:s29] =	ssyncset.done $0x0  }
0x67: {  	s11 =	sadd.s32 $0x460, s11;
	[sflag:s29] =	ssyncadd.s32 $0xFFFFD800  }
0x68: {  	[spmem:s4] =	stream.indirect.scatter.add.f32 [tilespmem:s25], [sflag:$0x5], $0x80, s11, s23, $0xb8;
	[tilespmem:$0x1E6C0] =	vst v63  }
0x69: {  	_ = 	snop  }
0x6a: {  	[spmem:s5] =	stream.indirect.scatter.add.f32 [tilespmem:s21], [sflag:$0x7], $0x10, s11, s23, $0xb8;
	[tilespmem:$0x1E6C0] =	vst v63  }
0x6b: {  	_ =	swait.ge [sflag:s3], $0x2800  }
0x6c: {  	[sflag:s3] =	ssyncset.done $0x0  }
0x6d: {  	[sflag:s3] =	ssyncadd.s32 $0xFFFFD800  }
0x6e: {  	_ =	swait.ge [sflag:s30], $0x2800  }
0x6f: {  	[sflag:s30] =	ssyncset.done $0x0  }
0x70: {  	[sflag:s30] =	ssyncadd.s32 $0xFFFFD800  }
0x71: {  	_ =	swait.ge [sflag:s0], $0x2800  }
0x72: {  	[sflag:s0] =	ssyncset.done $0x0  }
0x73: {  	[sflag:s0] =	ssyncadd.s32 $0xFFFFD800  }
0x74: {  	_ =	swait.ge [sflag:s22], $0x500  }
0x75: {  	[sflag:s22] =	ssyncset.done $0x0  }
0x76: {  	[sflag:s22] =	ssyncadd.s32 $0xFFFFFB00  }
0x77: {  	_ =	swait.ge [sflag:s22], $0x500  }
0x78: {  	[sflag:s22] =	ssyncset.done $0x0  }
0x79: {  	[sflag:s22] =	ssyncadd.s32 $0xFFFFFB00  }
0x7a: {  	_ =	swait.ge [sflag:s22], $0x500  }
0x7b: {  	[sflag:s22] =	ssyncset.done $0x0  }
0x7c: {  	s12 =	sadd.s32 $0x1, s12;
	[sflag:s22] =	ssyncadd.s32 $0xFFFFFB00  }
0x7d: {  	p0 =	sne.s32 s12, $0x19;
	_ =	swait.ge [sflag:s22], $0x500  }
.Ltmp0:
0x7e: {  	[sflag:s22] =	ssyncset.done $0x0;
	(pc) =	sbr.rel @p0 .LBB2_2-.Ltmp0, $4  }
0x7f: {  	[sflag:s22] =	ssyncadd.s32 $0xFFFFFB00  }
0x80: {  	_ =	swait.ge [sflag:s22], $0x500  }
0x81: {  	[sflag:s22] =	ssyncset.done $0x0  }
0x82: {  	s16 =	sadd.s32 $0x190, s16;
	s17 =	sadd.s32 $0x32, s17;
	[sflag:s22] =	ssyncadd.s32 $0xFFFFFB00  }
0x83: {  	[bflag:$0x0] =	sbarrier.arrive $0xFFFF  }
0x84: {  	s11 =	rddreg [dreg:$0xb]  }
0x85: {  	[hbm:s11], [sflag:s10] =	dma.local [spmem:s18], $0x2780  }
0x86: {  	s7 =	sadd.s32 $0x1, s7;
	_ =	swait.ge [sflag:s19], $0x2780  }
0x87: {  	p0 =	sne.s32 s7, s15;
	[sflag:s19] =	ssyncset.done $0x0  }
.Ltmp1:
0x88: {  	s17 =	rddreg [dreg:$0xc];
	[sflag:s19] =	ssyncadd.s32 $0xFFFFD880;
	(pc) =	sbr.rel @p0 .LBB2_1-.Ltmp1, $4  }
0x89: {  	[hbm:s17], [sflag:s10] =	dma.local [spmem:s20], $0x4F0  }
0x8a: {  	_ =	swait.ge [sflag:s19], $0x4F0  }
0x8b: {  	[sflag:s19] =	ssyncset.done $0x0  }
0x8c: {  	[sflag:s19] =	ssyncadd.s32 $0xFFFFFB10  }
0x8d: {  	_ =	sfence.sel $0x180000  }
0x8e: {  	[bflag:$0x0] =	sbarrier.arrive $0xFFFF  }
0x8f: {  	_ =	strace $0x90000047  }
0x90: {  	s0 =	stileid.u32;
	[bflag:$0x2] =	sbarrier.arrive $0xFFFF  }
0x91: {  	p0 =	sne.s32 s0, $0x0;
	s0 =	rddreg [dreg:$0x5]  }
0x92: {  	s0 =	sadd.s32 @!p0 $0x100000, s0  }
0x93: {  	[sflag:s0] =	ssyncadd.tile.s32 @!p0 $0x1;
	_ =	shalt  }
.Lfunc_end2:
_tile_overlayer_lowered:
.L_overlay_start_2:
0x94: {  	(tag) =	ssettag $0x2  }
0x95: {  	s0 =	rddreg [dreg:$0x0];
	s2 =	stileid.u32  }
0x96: {  	s1 =	rddreg [dreg:$0x1];
	p0 =	sne.s32 s2, $0x0  }
0x97: {  	s3 =	rddreg [dreg:$0x2];
	[bflag:$0x3] =	sbarrier.arrive $0xFFFF;
	s2 =	simm.s32 @!p0 $0x1C0A  }
0x98: {  	[timem:s3], [sflag:s2] =	dma.local @!p0 [hbm:s0], s1  }
0x99: {  	s0 =	simm.s32 @!p0 $0xA  }
0x9a: {  	_ =	swait.ge @!p0 [sflag:s0], s1  }
0x9b: {  	s1 =	ssub.s32 @!p0 $0x0, s1;
	[sflag:s0] =	ssyncset.done @!p0 $0x0  }
0x9c: {  	[sflag:s0] =	ssyncadd.s32 @!p0 s1  }
0x9d: {  	[bflag:$0x3] =	sbarrier.arrive $0xFFFF  }
0x9e: {  	_ =	shalt  }

</sc_bundles>
